<compile_context>
chip_gen: v7x
topology: tpu7x:2x2x1
jax: 0.10.2.dev20260603
libtpu: 0.0.44.dev20260713+nightly
codegen_flags: <defaults>
</compile_context>

<pallas_src>
import functools

import jax
import jax.numpy as jnp
from jax.experimental import pallas as pl
from jax.experimental.pallas import tpu as pltpu
from jax.experimental.pallas import tpu_sc as plsc

NUM_EMB = 16384
EMB_DIM = 512
FACT_DIM = 32
B = 8
PIX = 1024
NPIX = B * PIX
CB_TILE = 2048
NCB = NUM_EMB // CB_TILE

_PREC = jax.lax.Precision.DEFAULT

_SC_INFO = plsc.get_sparse_core_info()
_NW = _SC_INFO.num_cores * _SC_INFO.num_subcores
_BPW = NPIX // _NW



def _search_kernel(x_ref, embw_ref, projw_ref, projb_ref,
                   idx_ref, loss_ref, embn_scr, loss_scr):
    b = pl.program_id(0)

    @pl.when(b == 0)
    def _init():
        loss_scr[...] = jnp.zeros_like(loss_scr)
        ew = embw_ref[...]
        en = jnp.sqrt(jnp.sum(ew * ew, axis=1, keepdims=True))
        nrm = ew / jnp.maximum(en, 1e-6)
        ri = jax.lax.broadcasted_iota(jnp.int32, (CB_TILE, CB_TILE), 0)
        ci = jax.lax.broadcasted_iota(jnp.int32, (CB_TILE, CB_TILE), 1)
        arev = (ri + ci == CB_TILE - 1).astype(jnp.float32)
        for jj in range(NCB):
            chunk = nrm[(NCB - 1 - jj) * CB_TILE:(NCB - jj) * CB_TILE, :]
            embn_scr[jj * CB_TILE:(jj + 1) * CB_TILE, :] = jax.lax.dot_general(
                arev, chunk, (((1,), (0,)), ((), ())),
                precision=_PREC, preferred_element_type=jnp.float32)

    x = x_ref[0]
    enc = jax.lax.dot_general(projw_ref[...], x, (((1,), (0,)), ((), ())),
                              precision=_PREC,
                              preferred_element_type=jnp.float32)
    enc = enc + projb_ref[...]
    n = jnp.sqrt(jnp.sum(enc * enc, axis=0, keepdims=True))
    enc_n = enc / jnp.maximum(n, 1e-6)

    bval = jnp.full((1, PIX), -jnp.inf, jnp.float32)
    bidx = jnp.zeros((1, PIX), jnp.int32)
    for j in range(NCB):
        emb_n = embn_scr[j * CB_TILE:(j + 1) * CB_TILE, :]
        cos = jax.lax.dot_general(emb_n, enc_n, (((1,), (0,)), ((), ())),
                                  precision=_PREC,
                                  preferred_element_type=jnp.float32)
        lmax = jnp.max(cos, axis=0, keepdims=True)
        lidx = jnp.argmax(cos, axis=0).reshape(1, PIX) + j * CB_TILE
        better = lmax >= bval
        bidx = jnp.where(better, lidx, bidx)
        bval = jnp.where(better, lmax, bval)

    idx_ref[0] = (NUM_EMB - 1) - bidx
    loss_scr[...] += jnp.sum(2.0 - 2.0 * bval).reshape(1, 1)

    @pl.when(b == B - 1)
    def _finish_all():
        loss_ref[...] = loss_scr[...] / (B * FACT_DIM * PIX)



def _sc_body(idx_hbm, embw_hbm, lat_hbm, cnt_hbm,
             idx_v, rows_v, cnt_v, sem):
    wid = jax.lax.axis_index("s") * _SC_INFO.num_cores + jax.lax.axis_index("c")
    per_b = PIX // _BPW
    b = wid // per_b
    off = (wid % per_b) * _BPW
    pltpu.sync_copy(idx_hbm.at[b, 0, pl.ds(off, _BPW)], idx_v)
    pltpu.async_copy(embw_hbm.at[idx_v], rows_v, sem).wait()
    pltpu.sync_copy(rows_v, lat_hbm.at[pl.ds(wid * _BPW, _BPW)])
    zeros16 = jnp.zeros((16,), jnp.float32)

    def zbody(i, carry):
        for k in range(16):
            cnt_v[pl.ds(i * 256 + k * 16, 16)] = zeros16
        return carry

    jax.lax.fori_loop(0, NUM_EMB // 256, zbody, 0)
    ones = jnp.ones((16,), jnp.float32)

    def body(i, carry):
        v = idx_v[pl.ds(i * 16, 16)]
        plsc.addupdate_scatter(cnt_v, [v], ones)
        return carry

    jax.lax.fori_loop(0, _BPW // 16, body, 0)
    pltpu.sync_copy(cnt_v, cnt_hbm.at[wid])


@functools.partial(
    pl.kernel,
    mesh=plsc.VectorSubcoreMesh(core_axis_name="c", subcore_axis_name="s"),
    out_type=[
        jax.ShapeDtypeStruct((NPIX, FACT_DIM), jnp.float32),
        jax.ShapeDtypeStruct((_NW, NUM_EMB), jnp.float32),
    ],
    scratch_types=[
        pltpu.VMEM((_BPW,), jnp.int32),
        pltpu.VMEM((_BPW, FACT_DIM), jnp.float32),
        pltpu.VMEM((NUM_EMB,), jnp.float32),
        pltpu.SemaphoreType.DMA,
    ],
    compiler_params=pltpu.CompilerParams(needs_layout_passes=False,
                                         use_tc_tiling_on_sc=False),
)
def _sc_gather_count(idx_hbm, embw_hbm, lat_hbm, cnt_hbm,
                     idx_v, rows_v, cnt_v, sem):
    _sc_body(idx_hbm, embw_hbm, lat_hbm, cnt_hbm,
             idx_v, rows_v, cnt_v, sem)



def _expand_kernel(lat_ref, expw_ref, expb_ref, cnt_ref,
                   out_ref, perp_ref):
    b = pl.program_id(0)
    lraw = lat_ref[0]
    ln = jnp.sqrt(jnp.sum(lraw * lraw, axis=1, keepdims=True))
    lat_n = lraw / jnp.maximum(ln, 1e-6)
    o = jax.lax.dot_general(expw_ref[...], lat_n, (((1,), (1,)), ((), ())),
                            precision=_PREC,
                            preferred_element_type=jnp.float32)
    out_ref[0] = o + expb_ref[...]

    @pl.when(b == 0)
    def _entropy():
        tot = jnp.sum(cnt_ref[...], axis=0, keepdims=True)
        u = tot / float(NPIX)
        ent = jnp.sum(-u * jnp.log(u + 1e-6))
        perp_ref[...] = jnp.exp(ent).reshape(1, 1)



def kernel(encodings, emb_w, proj_w, proj_b, exp_w, exp_b):
    x = encodings.reshape(B, EMB_DIM, PIX)
    pb = proj_b.reshape(FACT_DIM, 1)
    eb = exp_b.reshape(EMB_DIM, 1)

    idx, loss = pl.pallas_call(
        _search_kernel,
        grid=(B,),
        in_specs=[
            pl.BlockSpec((1, EMB_DIM, PIX), lambda b: (b, 0, 0)),
            pl.BlockSpec((NUM_EMB, FACT_DIM), lambda b: (0, 0)),
            pl.BlockSpec((FACT_DIM, EMB_DIM), lambda b: (0, 0)),
            pl.BlockSpec((FACT_DIM, 1), lambda b: (0, 0)),
        ],
        out_specs=[
            pl.BlockSpec((1, 1, PIX), lambda b: (b, 0, 0)),
            pl.BlockSpec((1, 1), lambda b: (0, 0)),
        ],
        out_shape=[
            jax.ShapeDtypeStruct((B, 1, PIX), jnp.int32),
            jax.ShapeDtypeStruct((1, 1), jnp.float32),
        ],
        scratch_shapes=[
            pltpu.VMEM((NUM_EMB, FACT_DIM), jnp.float32),
            pltpu.VMEM((1, 1), jnp.float32),
        ],
        compiler_params=pltpu.CompilerParams(
            dimension_semantics=("arbitrary",),
        ),
    )(x, emb_w, proj_w, pb)

    lat_raw, counts = _sc_gather_count(idx, emb_w)

    out, perp = pl.pallas_call(
        _expand_kernel,
        grid=(B,),
        in_specs=[
            pl.BlockSpec((1, PIX, FACT_DIM), lambda b: (b, 0, 0)),
            pl.BlockSpec((EMB_DIM, FACT_DIM), lambda b: (0, 0)),
            pl.BlockSpec((EMB_DIM, 1), lambda b: (0, 0)),
            pl.BlockSpec((_NW, NUM_EMB), lambda b: (0, 0)),
        ],
        out_specs=[
            pl.BlockSpec((1, EMB_DIM, PIX), lambda b: (b, 0, 0)),
            pl.BlockSpec((1, 1), lambda b: (0, 0)),
        ],
        out_shape=[
            jax.ShapeDtypeStruct((B, EMB_DIM, PIX), jnp.float32),
            jax.ShapeDtypeStruct((1, 1), jnp.float32),
        ],
        compiler_params=pltpu.CompilerParams(
            dimension_semantics=("arbitrary",),
        ),
    )(lat_raw.reshape(B, PIX, FACT_DIM), exp_w, eb, counts)

    return (out.reshape(B, EMB_DIM, 32, 32), loss[0, 0], perp[0, 0])

# --- scband reference (transcript-rebuilt; emitter-appended) ---
"""Pipeline reference for scband-vqvaequantizer-19258633355614 (READ-ONLY COPY).

The authoritative reference and input builder live on the scoring server;
editing this copy changes nothing except your own understanding.
"""

import jax, jax.numpy as jnp
import numpy as np

NUM_EMB = 16384
EMB_DIM = 512
FACT_DIM = 32

def _l2norm(x, axis, eps=1e-6):
    n = jnp.sqrt(jnp.sum(x * x, axis=axis, keepdims=True))
    return x / jnp.maximum(n, eps)

def setup_inputs(seed: int = 0) -> dict:
    key = jax.random.key(seed)
    ks = jax.random.split(key, 6)
    return {
        "encodings": jax.random.normal(ks[0], (8, EMB_DIM, 32, 32), dtype=jnp.float32),
        "emb_w": jax.random.normal(ks[1], (NUM_EMB, FACT_DIM), dtype=jnp.float32) * 0.02,
        "proj_w": jax.random.normal(ks[2], (FACT_DIM, EMB_DIM), dtype=jnp.float32) * 0.02,
        "proj_b": jnp.zeros((FACT_DIM,), dtype=jnp.float32),
        "exp_w": jax.random.normal(ks[3], (EMB_DIM, FACT_DIM), dtype=jnp.float32) * 0.02,
        "exp_b": jnp.zeros((EMB_DIM,), dtype=jnp.float32),
    }

def reference(encodings, emb_w, proj_w, proj_b, exp_w, exp_b):
    # projection: 1x1 conv == per-pixel linear over channels
    enc = jnp.einsum('bchw,fc->bfhw', encodings, proj_w) + proj_b[None, :, None, None]
    enc = _l2norm(enc, axis=1)
    emb = _l2norm(emb_w, axis=1)
    cos = jnp.einsum('bdhw,nd->bnhw', enc, emb)
    idx = jnp.argmax(cos, axis=1)  # [b, h, w]
    lat = jnp.take(emb, idx, axis=0)  # [b, h, w, d]
    lat = jnp.transpose(lat, (0, 3, 1, 2))  # [b, d, h, w]
    loss_quant = jnp.mean((enc - lat) ** 2)
    lat_st = enc + jax.lax.stop_gradient(lat - enc)
    out = jnp.einsum('bdhw,cd->bchw', lat_st, exp_w) + exp_b[None, :, None, None]
    flat = idx.reshape(-1)
    usage = jnp.bincount(flat, length=NUM_EMB).astype(jnp.float32) / flat.shape[0]
    perplexity = jnp.exp(jnp.sum(-usage * jnp.log(usage + 1e-6)))
    return (out, loss_quant, perplexity)

if __name__ == "__main__":
    import jax
    _d = setup_inputs()
    print(jax.jit(kernel)(*tuple(_d.values())))

</pallas_src>

<mosaic_0001>
#map = affine_map<(d0, d1) -> (0, 0, 0)>
#map1 = affine_map<(d0, d1) -> (0, 0)>
module attributes {stable_mosaic.version = 14 : i64} {
  func.func @_sc_gather_count(%arg0: i32, %arg1: i32, %arg2: memref<8x1x1024xi32, #tpu.memory_space<hbm>>, %arg3: memref<16384x32xf32, #tpu.memory_space<hbm>>, %arg4: memref<8192x32xf32, #tpu.memory_space<hbm>>, %arg5: memref<32x16384xf32, #tpu.memory_space<hbm>>, %arg6: memref<256xi32, #tpu.memory_space<vmem>>, %arg7: memref<256x32xf32, #tpu.memory_space<vmem>>, %arg8: memref<16384xf32, #tpu.memory_space<vmem>>, %arg9: memref<!tpu.dma_semaphore, #tpu.memory_space<semaphore_mem>>) attributes {dimension_semantics = [#tpu.dimension_semantics<core_parallel>, #tpu.dimension_semantics<subcore_parallel>], iteration_bounds = array<i64: 2, 16>, scalar_prefetch = 0 : i64, scratch_operands = 4 : i64, tpu.core_type = #tpu.core_type<sc_vector_subcore>, window_params = [{transform_indices = #map}, {transform_indices = #map1}, {transform_indices = #map1}, {transform_indices = #map1}]} {
    %mul3A = arith.constant 2 : i32
    %mul3A_0 = arith.muli %arg1, %mul3A : i32
    %add3A = arith.addi %mul3A_0, %arg0 : i32
    %jit3A = arith.constant 4 : i32
    %div3A = arith.divsi %add3A, %jit3A : i32
    %sign3A = arith.constant 0 : i32
    %sign3A_1 = arith.cmpi sgt, %add3A, %sign3A : i32
    %sign3A_2 = arith.extui %sign3A_1 : i1 to i32
    %sign3A_3 = arith.constant 0 : i32
    %sign3A_4 = arith.cmpi slt, %add3A, %sign3A_3 : i32
    %sign3A_5 = arith.extui %sign3A_4 : i1 to i32
    %sign3A_6 = arith.subi %sign3A_2, %sign3A_5 : i32
    %sign3A_7 = arith.constant 0 : i32
    %sign3A_8 = arith.cmpi sgt, %jit3A, %sign3A_7 : i32
    %sign3A_9 = arith.extui %sign3A_8 : i1 to i32
    %sign3A_10 = arith.constant 0 : i32
    %sign3A_11 = arith.cmpi slt, %jit3A, %sign3A_10 : i32
    %sign3A_12 = arith.extui %sign3A_11 : i1 to i32
    %sign3A_13 = arith.subi %sign3A_9, %sign3A_12 : i32
    %ne3A = arith.cmpi ne, %sign3A_6, %sign3A_13 : i32
    %rem3A = arith.remsi %add3A, %jit3A : i32
    %ne3A_14 = arith.constant 0 : i32
    %ne3A_15 = arith.cmpi ne, %rem3A, %ne3A_14 : i32
    %and3A = arith.andi %ne3A, %ne3A_15 : i1
    %sub3A = arith.constant 1 : i32
    %sub3A_16 = arith.subi %div3A, %sub3A : i32
    %select_n3A = arith.select %and3A, %sub3A_16, %div3A : i32
    %jit3A_17 = arith.constant 4 : i32
    %eq3A = arith.constant 0 : i32
    %eq3A_18 = arith.cmpi eq, %jit3A_17, %eq3A : i32
    %jit3A_19 = arith.constant 1 : i32
    %select_n3A_20 = arith.select %eq3A_18, %jit3A_19, %jit3A_17 : i32
    %rem3A_21 = arith.remsi %add3A, %select_n3A_20 : i32
    %ne3A_22 = arith.constant 0 : i32
    %ne3A_23 = arith.cmpi ne, %rem3A_21, %ne3A_22 : i32
    %lt3A = arith.constant 0 : i32
    %lt3A_24 = arith.cmpi slt, %rem3A_21, %lt3A : i32
    %lt3A_25 = arith.constant 0 : i32
    %lt3A_26 = arith.cmpi slt, %select_n3A_20, %lt3A_25 : i32
    %ne3A_27 = arith.xori %lt3A_24, %lt3A_26 : i1
    %and3A_28 = arith.andi %ne3A_27, %ne3A_23 : i1
    %add3A_29 = arith.addi %rem3A_21, %select_n3A_20 : i32
    %select_n3A_30 = arith.select %and3A_28, %add3A_29, %rem3A_21 : i32
    %mul3A_31 = arith.constant 256 : i32
    %mul3A_32 = arith.muli %select_n3A_30, %mul3A_31 : i32
    %run_scoped3A = arith.constant 0 : i32
    "tpu.region"() ({
      %run_scoped3A_53 = tpu.sem_alloc : memref<!tpu.dma_semaphore, #tpu.memory_space<semaphore_mem>>
      %dma_start3A_54 = tpu.memref_slice %arg2[%select_n3A, %run_scoped3A, %mul3A_32] : memref<8x1x1024xi32, #tpu.memory_space<hbm>> -> memref<1x1x256xi32, #tpu.memory_space<hbm>>
      %dma_start3A_55 = tpu.memref_squeeze %dma_start3A_54 : memref<1x1x256xi32, #tpu.memory_space<hbm>> -> memref<256xi32, #tpu.memory_space<hbm>>
      %dma_start3A_56 = tpu.memref_slice %arg2[%select_n3A, %run_scoped3A, %mul3A_32] : memref<8x1x1024xi32, #tpu.memory_space<hbm>> -> memref<1x1x256xi32, #tpu.memory_space<hbm>>
      %dma_start3A_57 = tpu.memref_squeeze %dma_start3A_56 : memref<1x1x256xi32, #tpu.memory_space<hbm>> -> memref<256xi32, #tpu.memory_space<hbm>>
      tpu.enqueue_dma source(%dma_start3A_57 : memref<256xi32, #tpu.memory_space<hbm>>) target(%arg6 : memref<256xi32, #tpu.memory_space<vmem>>) target_semaphore(%run_scoped3A_53 : memref<!tpu.dma_semaphore, #tpu.memory_space<semaphore_mem>>)
      %dma_wait3A_58 = tpu.memref_slice %arg2[%select_n3A, %run_scoped3A, %mul3A_32] : memref<8x1x1024xi32, #tpu.memory_space<hbm>> -> memref<1x1x256xi32, #tpu.memory_space<hbm>>
      %dma_wait3A_59 = tpu.memref_squeeze %dma_wait3A_58 : memref<1x1x256xi32, #tpu.memory_space<hbm>> -> memref<256xi32, #tpu.memory_space<hbm>>
      %dma_wait3A_60 = tpu.memref_slice %arg2[%select_n3A, %run_scoped3A, %mul3A_32] : memref<8x1x1024xi32, #tpu.memory_space<hbm>> -> memref<1x1x256xi32, #tpu.memory_space<hbm>>
      %dma_wait3A_61 = tpu.memref_squeeze %dma_wait3A_60 : memref<1x1x256xi32, #tpu.memory_space<hbm>> -> memref<256xi32, #tpu.memory_space<hbm>>
      tpu.wait_dma2 semaphore(%run_scoped3A_53 : memref<!tpu.dma_semaphore, #tpu.memory_space<semaphore_mem>>) src(%dma_wait3A_61 : memref<256xi32, #tpu.memory_space<hbm>>) dst(%arg6 : memref<256xi32, #tpu.memory_space<vmem>>)
      tpu.yield
    }) : () -> ()
    %dma_start3A = arith.constant 0 : i32
    %dma_start3A_33 = arith.constant 0 : i32
    %dma_start3A_34 = tpu.memref_slice %arg3[%dma_start3A, %dma_start3A_33] : memref<16384x32xf32, #tpu.memory_space<hbm>> -> memref<16384x32xf32, #tpu.memory_space<hbm>>
    tpu.enqueue_indirect_dma source(%dma_start3A_34 : memref<16384x32xf32, #tpu.memory_space<hbm>>) target(%arg7 : memref<256x32xf32, #tpu.memory_space<vmem>>) offsets(%arg6 : memref<256xi32, #tpu.memory_space<vmem>>) semaphore(%arg9 : memref<!tpu.dma_semaphore, #tpu.memory_space<semaphore_mem>>)
    %dma_wait3A = arith.constant 0 : i32
    %dma_wait3A_35 = arith.constant 0 : i32
    %dma_wait3A_36 = tpu.memref_slice %arg3[%dma_wait3A, %dma_wait3A_35] : memref<16384x32xf32, #tpu.memory_space<hbm>> -> memref<16384x32xf32, #tpu.memory_space<hbm>>
    tpu.wait_indirect_dma semaphore(%arg9 : memref<!tpu.dma_semaphore, #tpu.memory_space<semaphore_mem>>) src(%dma_wait3A_36 : memref<16384x32xf32, #tpu.memory_space<hbm>>) dst(%arg7 : memref<256x32xf32, #tpu.memory_space<vmem>>)
    %mul3A_37 = arith.constant 256 : i32
    %mul3A_38 = arith.muli %add3A, %mul3A_37 : i32
    "tpu.region"() ({
      %run_scoped3A_53 = tpu.sem_alloc : memref<!tpu.dma_semaphore, #tpu.memory_space<semaphore_mem>>
      %dma_start3A_54 = arith.constant 0 : i32
      %dma_start3A_55 = tpu.memref_slice %arg4[%mul3A_38, %dma_start3A_54] : memref<8192x32xf32, #tpu.memory_space<hbm>> -> memref<256x32xf32, #tpu.memory_space<hbm>>
      %dma_start3A_56 = arith.constant 0 : i32
      %dma_start3A_57 = tpu.memref_slice %arg4[%mul3A_38, %dma_start3A_56] : memref<8192x32xf32, #tpu.memory_space<hbm>> -> memref<256x32xf32, #tpu.memory_space<hbm>>
      tpu.enqueue_dma source(%arg7 : memref<256x32xf32, #tpu.memory_space<vmem>>) target(%dma_start3A_57 : memref<256x32xf32, #tpu.memory_space<hbm>>) target_semaphore(%run_scoped3A_53 : memref<!tpu.dma_semaphore, #tpu.memory_space<semaphore_mem>>)
      %dma_wait3A_58 = arith.constant 0 : i32
      %dma_wait3A_59 = tpu.memref_slice %arg4[%mul3A_38, %dma_wait3A_58] : memref<8192x32xf32, #tpu.memory_space<hbm>> -> memref<256x32xf32, #tpu.memory_space<hbm>>
      %dma_wait3A_60 = arith.constant 0 : i32
      %dma_wait3A_61 = tpu.memref_slice %arg4[%mul3A_38, %dma_wait3A_60] : memref<8192x32xf32, #tpu.memory_space<hbm>> -> memref<256x32xf32, #tpu.memory_space<hbm>>
      tpu.wait_dma2 semaphore(%run_scoped3A_53 : memref<!tpu.dma_semaphore, #tpu.memory_space<semaphore_mem>>) src(%arg7 : memref<256x32xf32, #tpu.memory_space<vmem>>) dst(%dma_wait3A_61 : memref<256x32xf32, #tpu.memory_space<hbm>>)
      tpu.yield
    }) : () -> ()
    %broadcast_in_dim3A = arith.constant 0.000000e+00 : f32
    %broadcast_in_dim3A_39 = vector.broadcast %broadcast_in_dim3A : f32 to vector<16xf32>
    %scan3A = arith.constant 0 : i32
    %scan3A_40 = arith.constant 0 : i32
    %scan3A_41 = arith.constant 64 : i32
    %scan3A_42 = arith.addi %scan3A_40, %scan3A_41 : i32
    %scan3A_43 = arith.constant 1 : i32
    scf.for %scan3A_53 = %scan3A_40 to %scan3A_42 step %scan3A_43  : i32 {
      %mul3A_54 = arith.constant 256 : i32
      %mul3A_55 = arith.muli %scan3A_53, %mul3A_54 : i32
      %add3A_56 = arith.constant 0 : i32
      %add3A_57 = arith.addi %mul3A_55, %add3A_56 : i32
      %swap3A = arith.index_cast %add3A_57 : i32 to index
      %swap3A_58 = tpu.vector_load %arg8[%swap3A] {strides = array<i32>} : memref<16384xf32, #tpu.memory_space<vmem>>, vector<16xf32>,
      tpu.vector_store %arg8[%swap3A], %broadcast_in_dim3A_39 {strides = array<i32>} : memref<16384xf32, #tpu.memory_space<vmem>>, vector<16xf32>,
      %mul3A_59 = arith.constant 256 : i32
      %mul3A_60 = arith.muli %scan3A_53, %mul3A_59 : i32
      %add3A_61 = arith.constant 16 : i32
      %add3A_62 = arith.addi %mul3A_60, %add3A_61 : i32
      %swap3A_63 = arith.index_cast %add3A_62 : i32 to index
      %swap3A_64 = tpu.vector_load %arg8[%swap3A_63] {strides = array<i32>} : memref<16384xf32, #tpu.memory_space<vmem>>, vector<16xf32>,
      tpu.vector_store %arg8[%swap3A_63], %broadcast_in_dim3A_39 {strides = array<i32>} : memref<16384xf32, #tpu.memory_space<vmem>>, vector<16xf32>,
      %mul3A_65 = arith.constant 256 : i32
      %mul3A_66 = arith.muli %scan3A_53, %mul3A_65 : i32
      %add3A_67 = arith.constant 32 : i32
      %add3A_68 = arith.addi %mul3A_66, %add3A_67 : i32
      %swap3A_69 = arith.index_cast %add3A_68 : i32 to index
      %swap3A_70 = tpu.vector_load %arg8[%swap3A_69] {strides = array<i32>} : memref<16384xf32, #tpu.memory_space<vmem>>, vector<16xf32>,
      tpu.vector_store %arg8[%swap3A_69], %broadcast_in_dim3A_39 {strides = array<i32>} : memref<16384xf32, #tpu.memory_space<vmem>>, vector<16xf32>,
      %mul3A_71 = arith.constant 256 : i32
      %mul3A_72 = arith.muli %scan3A_53, %mul3A_71 : i32
      %add3A_73 = arith.constant 48 : i32
      %add3A_74 = arith.addi %mul3A_72, %add3A_73 : i32
      %swap3A_75 = arith.index_cast %add3A_74 : i32 to index
      %swap3A_76 = tpu.vector_load %arg8[%swap3A_75] {strides = array<i32>} : memref<16384xf32, #tpu.memory_space<vmem>>, vector<16xf32>,
      tpu.vector_store %arg8[%swap3A_75], %broadcast_in_dim3A_39 {strides = array<i32>} : memref<16384xf32, #tpu.memory_space<vmem>>, vector<16xf32>,
      %mul3A_77 = arith.constant 256 : i32
      %mul3A_78 = arith.muli %scan3A_53, %mul3A_77 : i32
      %add3A_79 = arith.constant 64 : i32
      %add3A_80 = arith.addi %mul3A_78, %add3A_79 : i32
      %swap3A_81 = arith.index_cast %add3A_80 : i32 to index
      %swap3A_82 = tpu.vector_load %arg8[%swap3A_81] {strides = array<i32>} : memref<16384xf32, #tpu.memory_space<vmem>>, vector<16xf32>,
      tpu.vector_store %arg8[%swap3A_81], %broadcast_in_dim3A_39 {strides = array<i32>} : memref<16384xf32, #tpu.memory_space<vmem>>, vector<16xf32>,
      %mul3A_83 = arith.constant 256 : i32
      %mul3A_84 = arith.muli %scan3A_53, %mul3A_83 : i32
      %add3A_85 = arith.constant 80 : i32
      %add3A_86 = arith.addi %mul3A_84, %add3A_85 : i32
      %swap3A_87 = arith.index_cast %add3A_86 : i32 to index
      %swap3A_88 = tpu.vector_load %arg8[%swap3A_87] {strides = array<i32>} : memref<16384xf32, #tpu.memory_space<vmem>>, vector<16xf32>,
      tpu.vector_store %arg8[%swap3A_87], %broadcast_in_dim3A_39 {strides = array<i32>} : memref<16384xf32, #tpu.memory_space<vmem>>, vector<16xf32>,
      %mul3A_89 = arith.constant 256 : i32
      %mul3A_90 = arith.muli %scan3A_53, %mul3A_89 : i32
      %add3A_91 = arith.constant 96 : i32
      %add3A_92 = arith.addi %mul3A_90, %add3A_91 : i32
      %swap3A_93 = arith.index_cast %add3A_92 : i32 to index
      %swap3A_94 = tpu.vector_load %arg8[%swap3A_93] {strides = array<i32>} : memref<16384xf32, #tpu.memory_space<vmem>>, vector<16xf32>,
      tpu.vector_store %arg8[%swap3A_93], %broadcast_in_dim3A_39 {strides = array<i32>} : memref<16384xf32, #tpu.memory_space<vmem>>, vector<16xf32>,
      %mul3A_95 = arith.constant 256 : i32
      %mul3A_96 = arith.muli %scan3A_53, %mul3A_95 : i32
      %add3A_97 = arith.constant 112 : i32
      %add3A_98 = arith.addi %mul3A_96, %add3A_97 : i32
      %swap3A_99 = arith.index_cast %add3A_98 : i32 to index
      %swap3A_100 = tpu.vector_load %arg8[%swap3A_99] {strides = array<i32>} : memref<16384xf32, #tpu.memory_space<vmem>>, vector<16xf32>,
      tpu.vector_store %arg8[%swap3A_99], %broadcast_in_dim3A_39 {strides = array<i32>} : memref<16384xf32, #tpu.memory_space<vmem>>, vector<16xf32>,
      %mul3A_101 = arith.constant 256 : i32
      %mul3A_102 = arith.muli %scan3A_53, %mul3A_101 : i32
      %add3A_103 = arith.constant 128 : i32
      %add3A_104 = arith.addi %mul3A_102, %add3A_103 : i32
      %swap3A_105 = arith.index_cast %add3A_104 : i32 to index
      %swap3A_106 = tpu.vector_load %arg8[%swap3A_105] {strides = array<i32>} : memref<16384xf32, #tpu.memory_space<vmem>>, vector<16xf32>,
      tpu.vector_store %arg8[%swap3A_105], %broadcast_in_dim3A_39 {strides = array<i32>} : memref<16384xf32, #tpu.memory_space<vmem>>, vector<16xf32>,
      %mul3A_107 = arith.constant 256 : i32
      %mul3A_108 = arith.muli %scan3A_53, %mul3A_107 : i32
      %add3A_109 = arith.constant 144 : i32
      %add3A_110 = arith.addi %mul3A_108, %add3A_109 : i32
      %swap3A_111 = arith.index_cast %add3A_110 : i32 to index
      %swap3A_112 = tpu.vector_load %arg8[%swap3A_111] {strides = array<i32>} : memref<16384xf32, #tpu.memory_space<vmem>>, vector<16xf32>,
      tpu.vector_store %arg8[%swap3A_111], %broadcast_in_dim3A_39 {strides = array<i32>} : memref<16384xf32, #tpu.memory_space<vmem>>, vector<16xf32>,
      %mul3A_113 = arith.constant 256 : i32
      %mul3A_114 = arith.muli %scan3A_53, %mul3A_113 : i32
      %add3A_115 = arith.constant 160 : i32
      %add3A_116 = arith.addi %mul3A_114, %add3A_115 : i32
      %swap3A_117 = arith.index_cast %add3A_116 : i32 to index
      %swap3A_118 = tpu.vector_load %arg8[%swap3A_117] {strides = array<i32>} : memref<16384xf32, #tpu.memory_space<vmem>>, vector<16xf32>,
      tpu.vector_store %arg8[%swap3A_117], %broadcast_in_dim3A_39 {strides = array<i32>} : memref<16384xf32, #tpu.memory_space<vmem>>, vector<16xf32>,
      %mul3A_119 = arith.constant 256 : i32
      %mul3A_120 = arith.muli %scan3A_53, %mul3A_119 : i32
      %add3A_121 = arith.constant 176 : i32
      %add3A_122 = arith.addi %mul3A_120, %add3A_121 : i32
      %swap3A_123 = arith.index_cast %add3A_122 : i32 to index
      %swap3A_124 = tpu.vector_load %arg8[%swap3A_123] {strides = array<i32>} : memref<16384xf32, #tpu.memory_space<vmem>>, vector<16xf32>,
      tpu.vector_store %arg8[%swap3A_123], %broadcast_in_dim3A_39 {strides = array<i32>} : memref<16384xf32, #tpu.memory_space<vmem>>, vector<16xf32>,
      %mul3A_125 = arith.constant 256 : i32
      %mul3A_126 = arith.muli %scan3A_53, %mul3A_125 : i32
      %add3A_127 = arith.constant 192 : i32
      %add3A_128 = arith.addi %mul3A_126, %add3A_127 : i32
      %swap3A_129 = arith.index_cast %add3A_128 : i32 to index
      %swap3A_130 = tpu.vector_load %arg8[%swap3A_129] {strides = array<i32>} : memref<16384xf32, #tpu.memory_space<vmem>>, vector<16xf32>,
      tpu.vector_store %arg8[%swap3A_129], %broadcast_in_dim3A_39 {strides = array<i32>} : memref<16384xf32, #tpu.memory_space<vmem>>, vector<16xf32>,
      %mul3A_131 = arith.constant 256 : i32
      %mul3A_132 = arith.muli %scan3A_53, %mul3A_131 : i32
      %add3A_133 = arith.constant 208 : i32
      %add3A_134 = arith.addi %mul3A_132, %add3A_133 : i32
      %swap3A_135 = arith.index_cast %add3A_134 : i32 to index
      %swap3A_136 = tpu.vector_load %arg8[%swap3A_135] {strides = array<i32>} : memref<16384xf32, #tpu.memory_space<vmem>>, vector<16xf32>,
      tpu.vector_store %arg8[%swap3A_135], %broadcast_in_dim3A_39 {strides = array<i32>} : memref<16384xf32, #tpu.memory_space<vmem>>, vector<16xf32>,
      %mul3A_137 = arith.constant 256 : i32
      %mul3A_138 = arith.muli %scan3A_53, %mul3A_137 : i32
      %add3A_139 = arith.constant 224 : i32
      %add3A_140 = arith.addi %mul3A_138, %add3A_139 : i32
      %swap3A_141 = arith.index_cast %add3A_140 : i32 to index
      %swap3A_142 = tpu.vector_load %arg8[%swap3A_141] {strides = array<i32>} : memref<16384xf32, #tpu.memory_space<vmem>>, vector<16xf32>,
      tpu.vector_store %arg8[%swap3A_141], %broadcast_in_dim3A_39 {strides = array<i32>} : memref<16384xf32, #tpu.memory_space<vmem>>, vector<16xf32>,
      %mul3A_143 = arith.constant 256 : i32
      %mul3A_144 = arith.muli %scan3A_53, %mul3A_143 : i32
      %add3A_145 = arith.constant 240 : i32
      %add3A_146 = arith.addi %mul3A_144, %add3A_145 : i32
      %swap3A_147 = arith.index_cast %add3A_146 : i32 to index
      %swap3A_148 = tpu.vector_load %arg8[%swap3A_147] {strides = array<i32>} : memref<16384xf32, #tpu.memory_space<vmem>>, vector<16xf32>,
      tpu.vector_store %arg8[%swap3A_147], %broadcast_in_dim3A_39 {strides = array<i32>} : memref<16384xf32, #tpu.memory_space<vmem>>, vector<16xf32>,
    }
    %scan3A_44 = arith.constant 64 : i32
    %broadcast_in_dim3A_45 = arith.constant 1.000000e+00 : f32
    %broadcast_in_dim3A_46 = vector.broadcast %broadcast_in_dim3A_45 : f32 to vector<16xf32>
    %scan3A_47 = arith.constant 0 : i32
    %scan3A_48 = arith.constant 0 : i32
    %scan3A_49 = arith.constant 16 : i32
    %scan3A_50 = arith.addi %scan3A_48, %scan3A_49 : i32
    %scan3A_51 = arith.constant 1 : i32
    scf.for %scan3A_53 = %scan3A_48 to %scan3A_50 step %scan3A_51  : i32 {
      %mul3A_54 = arith.constant 16 : i32
      %mul3A_55 = arith.muli %scan3A_53, %mul3A_54 : i32
      %get3A = arith.index_cast %mul3A_55 : i32 to index
      %get3A_56 = tpu.vector_load %arg6[%get3A] {strides = array<i32>} : memref<256xi32, #tpu.memory_space<vmem>>, vector<16xi32>,
      tpu.vector_store_idx %arg8[%get3A_56], %broadcast_in_dim3A_46 {add = true} : memref<16384xf32, #tpu.memory_space<vmem>>[vector<16xi32>], vector<16xf32>,
    }
    %scan3A_52 = arith.constant 16 : i32
    "tpu.region"() ({
      %run_scoped3A_53 = tpu.sem_alloc : memref<!tpu.dma_semaphore, #tpu.memory_space<semaphore_mem>>
      %dma_start3A_54 = arith.constant 0 : i32
      %dma_start3A_55 = tpu.memref_slice %arg5[%add3A, %dma_start3A_54] : memref<32x16384xf32, #tpu.memory_space<hbm>> -> memref<1x16384xf32, #tpu.memory_space<hbm>>
      %dma_start3A_56 = tpu.memref_squeeze %dma_start3A_55 : memref<1x16384xf32, #tpu.memory_space<hbm>> -> memref<16384xf32, #tpu.memory_space<hbm>>
      %dma_start3A_57 = arith.constant 0 : i32
      %dma_start3A_58 = tpu.memref_slice %arg5[%add3A, %dma_start3A_57] : memref<32x16384xf32, #tpu.memory_space<hbm>> -> memref<1x16384xf32, #tpu.memory_space<hbm>>
      %dma_start3A_59 = tpu.memref_squeeze %dma_start3A_58 : memref<1x16384xf32, #tpu.memory_space<hbm>> -> memref<16384xf32, #tpu.memory_space<hbm>>
      tpu.enqueue_dma source(%arg8 : memref<16384xf32, #tpu.memory_space<vmem>>) target(%dma_start3A_59 : memref<16384xf32, #tpu.memory_space<hbm>>) target_semaphore(%run_scoped3A_53 : memref<!tpu.dma_semaphore, #tpu.memory_space<semaphore_mem>>)
      %dma_wait3A_60 = arith.constant 0 : i32
      %dma_wait3A_61 = tpu.memref_slice %arg5[%add3A, %dma_wait3A_60] : memref<32x16384xf32, #tpu.memory_space<hbm>> -> memref<1x16384xf32, #tpu.memory_space<hbm>>
      %dma_wait3A_62 = tpu.memref_squeeze %dma_wait3A_61 : memref<1x16384xf32, #tpu.memory_space<hbm>> -> memref<16384xf32, #tpu.memory_space<hbm>>
      %dma_wait3A_63 = arith.constant 0 : i32
      %dma_wait3A_64 = tpu.memref_slice %arg5[%add3A, %dma_wait3A_63] : memref<32x16384xf32, #tpu.memory_space<hbm>> -> memref<1x16384xf32, #tpu.memory_space<hbm>>
      %dma_wait3A_65 = tpu.memref_squeeze %dma_wait3A_64 : memref<1x16384xf32, #tpu.memory_space<hbm>> -> memref<16384xf32, #tpu.memory_space<hbm>>
      tpu.wait_dma2 semaphore(%run_scoped3A_53 : memref<!tpu.dma_semaphore, #tpu.memory_space<semaphore_mem>>) src(%arg8 : memref<16384xf32, #tpu.memory_space<vmem>>) dst(%dma_wait3A_65 : memref<16384xf32, #tpu.memory_space<hbm>>)
      tpu.yield
    }) : () -> ()
    return
  }
}

module attributes {stable_mosaic.version = 14 : i64} {
  func.func @_search_kernel(%arg0: i32, %arg1: memref<1x512x1024xf32, #tpu.memory_space<vmem>>, %arg2: memref<16384x32xf32, #tpu.memory_space<vmem>>, %arg3: memref<32x512xf32, #tpu.memory_space<vmem>>, %arg4: memref<32x1xf32, #tpu.memory_space<vmem>>, %arg5: memref<1x1x1024xi32, #tpu.memory_space<vmem>>, %arg6: memref<1x1xf32, #tpu.memory_space<vmem>>, %arg7: memref<16384x32xf32, #tpu.memory_space<vmem>>, %arg8: memref<1x1xf32, #tpu.memory_space<vmem>>) attributes {dimension_semantics = [#tpu.dimension_semantics<arbitrary>], iteration_bounds = array<i64: 8>, scalar_prefetch = 0 : i64, scratch_operands = 2 : i64, tpu.core_type = #tpu.core_type<tc>, window_params = [{transform_indices = @transform_0, window_bounds = array<i64: 1, 512, 1024>}, {pipeline_mode = #tpu.pipeline_mode<synchronous>, transform_indices = @transform_1, window_bounds = array<i64: 16384, 32>}, {pipeline_mode = #tpu.pipeline_mode<synchronous>, transform_indices = @transform_2, window_bounds = array<i64: 32, 512>}, {pipeline_mode = #tpu.pipeline_mode<synchronous>, transform_indices = @transform_3, window_bounds = array<i64: 32, 1>}, {transform_indices = @transform_4, window_bounds = array<i64: 1, 1, 1024>}, {pipeline_mode = #tpu.pipeline_mode<synchronous>, transform_indices = @transform_5, window_bounds = array<i64: 1, 1>}]} {
    %eq3A = arith.constant 0 : i32
    %eq3A_0 = arith.cmpi eq, %arg0, %eq3A : i32
    %convert_element_type3A = arith.extui %eq3A_0 : i1 to i32
    %cond3A = arith.constant 0 : i32
    %cond3A_1 = arith.cmpi ne, %convert_element_type3A, %cond3A : i32
    scf.if %cond3A_1 {
      %broadcast_in_dim3A_176 = arith.constant 0.000000e+00 : f32
      %broadcast_in_dim3A_177 = vector.broadcast %broadcast_in_dim3A_176 : f32 to vector<1x1xf32>
      %swap3A_178 = arith.constant 0 : index
      %swap3A_179 = arith.constant 0 : index
      %swap3A_180 = vector.load %arg8[%swap3A_178, %swap3A_179] : memref<1x1xf32, #tpu.memory_space<vmem>>, vector<1x1xf32>
      tpu.vector_store %arg8[%swap3A_178, %swap3A_179], %broadcast_in_dim3A_177 {strides = array<i32>} : memref<1x1xf32, #tpu.memory_space<vmem>>, vector<1x1xf32>,
      %get3A_181 = arith.constant 0 : index
      %get3A_182 = arith.constant 0 : index
      %get3A_183 = vector.load %arg2[%get3A_181, %get3A_182] : memref<16384x32xf32, #tpu.memory_space<vmem>>, vector<16384x32xf32>
      %mul3A_184 = arith.mulf %get3A_183, %get3A_183 : vector<16384x32xf32>
      %reduce_sum3A_185 = arith.constant dense<0.000000e+00> : vector<16384xf32>
      %reduce_sum3A_186 = vector.multi_reduction <add>, %mul3A_184, %reduce_sum3A_185 [1] : vector<16384x32xf32> to vector<16384xf32>
      %broadcast_in_dim3A_187 = vector.shape_cast %reduce_sum3A_186 : vector<16384xf32> to vector<16384x1xf32>
      %sqrt3A_188 = math.sqrt %broadcast_in_dim3A_187 : vector<16384x1xf32>
      %max3A_189 = arith.constant 9.99999997E-7 : f32
      %max3A_190 = vector.broadcast %max3A_189 : f32 to vector<16384x1xf32>
      %max3A_191 = arith.maximumf %sqrt3A_188, %max3A_190 : vector<16384x1xf32>
      %div3A_192 = vector.broadcast %max3A_191 : vector<16384x1xf32> to vector<16384x32xf32>
      %div3A_193 = arith.divf %get3A_183, %div3A_192 : vector<16384x32xf32>
      %iota3A = tpu.iota {dimensions = array<i32: 0>} : vector<2048x2048xi32>
      %iota3A_194 = tpu.iota {dimensions = array<i32: 1>} : vector<2048x2048xi32>
      %add3A_195 = arith.addi %iota3A, %iota3A_194 : vector<2048x2048xi32>
      %eq3A_196 = arith.constant 2047 : i32
      %eq3A_197 = vector.broadcast %eq3A_196 : i32 to vector<2048x2048xi32>
      %eq3A_198 = arith.cmpi eq, %add3A_195, %eq3A_197 : vector<2048x2048xi32>
      %convert_element_type3A_199 = arith.extui %eq3A_198 : vector<2048x2048xi1> to vector<2048x2048xi32>
      %convert_element_type3A_200 = arith.sitofp %convert_element_type3A_199 : vector<2048x2048xi32> to vector<2048x2048xf32>
      %slice3A = vector.extract_strided_slice %div3A_193 {offsets = [14336, 0], sizes = [2048, 32], strides = [1, 1]} : vector<16384x32xf32> to vector<2048x32xf32>
      %dot_general3A_201 = arith.constant dense<0.000000e+00> : vector<2048x32xf32>
      %dot_general3A_202 = tpu.matmul %convert_element_type3A_200, %slice3A, %dot_general3A_201 {dimension_numbers = #tpu.dot_dimension_numbers<[1], [0], [0], [1], [0, 0, 1, 1], [], []>, transpose_lhs_hint = false} : vector<2048x2048xf32>, vector<2048x32xf32>, vector<2048x32xf32> -> vector<2048x32xf32>
      %swap3A_203 = arith.constant 0 : index
      %swap3A_204 = arith.constant 0 : index
      %swap3A_205 = vector.load %arg7[%swap3A_203, %swap3A_204] : memref<16384x32xf32, #tpu.memory_space<vmem>>, vector<2048x32xf32>
      tpu.vector_store %arg7[%swap3A_203, %swap3A_204], %dot_general3A_202 {strides = array<i32>} : memref<16384x32xf32, #tpu.memory_space<vmem>>, vector<2048x32xf32>,
      %slice3A_206 = vector.extract_strided_slice %div3A_193 {offsets = [12288, 0], sizes = [2048, 32], strides = [1, 1]} : vector<16384x32xf32> to vector<2048x32xf32>
      %dot_general3A_207 = arith.constant dense<0.000000e+00> : vector<2048x32xf32>
      %dot_general3A_208 = tpu.matmul %convert_element_type3A_200, %slice3A_206, %dot_general3A_207 {dimension_numbers = #tpu.dot_dimension_numbers<[1], [0], [0], [1], [0, 0, 1, 1], [], []>, transpose_lhs_hint = false} : vector<2048x2048xf32>, vector<2048x32xf32>, vector<2048x32xf32> -> vector<2048x32xf32>
      %swap3A_209 = arith.constant 2048 : index
      %swap3A_210 = arith.constant 0 : index
      %swap3A_211 = vector.load %arg7[%swap3A_209, %swap3A_210] : memref<16384x32xf32, #tpu.memory_space<vmem>>, vector<2048x32xf32>
      tpu.vector_store %arg7[%swap3A_209, %swap3A_210], %dot_general3A_208 {strides = array<i32>} : memref<16384x32xf32, #tpu.memory_space<vmem>>, vector<2048x32xf32>,
      %slice3A_212 = vector.extract_strided_slice %div3A_193 {offsets = [10240, 0], sizes = [2048, 32], strides = [1, 1]} : vector<16384x32xf32> to vector<2048x32xf32>
      %dot_general3A_213 = arith.constant dense<0.000000e+00> : vector<2048x32xf32>
      %dot_general3A_214 = tpu.matmul %convert_element_type3A_200, %slice3A_212, %dot_general3A_213 {dimension_numbers = #tpu.dot_dimension_numbers<[1], [0], [0], [1], [0, 0, 1, 1], [], []>, transpose_lhs_hint = false} : vector<2048x2048xf32>, vector<2048x32xf32>, vector<2048x32xf32> -> vector<2048x32xf32>
      %swap3A_215 = arith.constant 4096 : index
      %swap3A_216 = arith.constant 0 : index
      %swap3A_217 = vector.load %arg7[%swap3A_215, %swap3A_216] : memref<16384x32xf32, #tpu.memory_space<vmem>>, vector<2048x32xf32>
      tpu.vector_store %arg7[%swap3A_215, %swap3A_216], %dot_general3A_214 {strides = array<i32>} : memref<16384x32xf32, #tpu.memory_space<vmem>>, vector<2048x32xf32>,
      %slice3A_218 = vector.extract_strided_slice %div3A_193 {offsets = [8192, 0], sizes = [2048, 32], strides = [1, 1]} : vector<16384x32xf32> to vector<2048x32xf32>
      %dot_general3A_219 = arith.constant dense<0.000000e+00> : vector<2048x32xf32>
      %dot_general3A_220 = tpu.matmul %convert_element_type3A_200, %slice3A_218, %dot_general3A_219 {dimension_numbers = #tpu.dot_dimension_numbers<[1], [0], [0], [1], [0, 0, 1, 1], [], []>, transpose_lhs_hint = false} : vector<2048x2048xf32>, vector<2048x32xf32>, vector<2048x32xf32> -> vector<2048x32xf32>
      %swap3A_221 = arith.constant 6144 : index
      %swap3A_222 = arith.constant 0 : index
      %swap3A_223 = vector.load %arg7[%swap3A_221, %swap3A_222] : memref<16384x32xf32, #tpu.memory_space<vmem>>, vector<2048x32xf32>
      tpu.vector_store %arg7[%swap3A_221, %swap3A_222], %dot_general3A_220 {strides = array<i32>} : memref<16384x32xf32, #tpu.memory_space<vmem>>, vector<2048x32xf32>,
      %slice3A_224 = vector.extract_strided_slice %div3A_193 {offsets = [6144, 0], sizes = [2048, 32], strides = [1, 1]} : vector<16384x32xf32> to vector<2048x32xf32>
      %dot_general3A_225 = arith.constant dense<0.000000e+00> : vector<2048x32xf32>
      %dot_general3A_226 = tpu.matmul %convert_element_type3A_200, %slice3A_224, %dot_general3A_225 {dimension_numbers = #tpu.dot_dimension_numbers<[1], [0], [0], [1], [0, 0, 1, 1], [], []>, transpose_lhs_hint = false} : vector<2048x2048xf32>, vector<2048x32xf32>, vector<2048x32xf32> -> vector<2048x32xf32>
      %swap3A_227 = arith.constant 8192 : index
      %swap3A_228 = arith.constant 0 : index
      %swap3A_229 = vector.load %arg7[%swap3A_227, %swap3A_228] : memref<16384x32xf32, #tpu.memory_space<vmem>>, vector<2048x32xf32>
      tpu.vector_store %arg7[%swap3A_227, %swap3A_228], %dot_general3A_226 {strides = array<i32>} : memref<16384x32xf32, #tpu.memory_space<vmem>>, vector<2048x32xf32>,
      %slice3A_230 = vector.extract_strided_slice %div3A_193 {offsets = [4096, 0], sizes = [2048, 32], strides = [1, 1]} : vector<16384x32xf32> to vector<2048x32xf32>
      %dot_general3A_231 = arith.constant dense<0.000000e+00> : vector<2048x32xf32>
      %dot_general3A_232 = tpu.matmul %convert_element_type3A_200, %slice3A_230, %dot_general3A_231 {dimension_numbers = #tpu.dot_dimension_numbers<[1], [0], [0], [1], [0, 0, 1, 1], [], []>, transpose_lhs_hint = false} : vector<2048x2048xf32>, vector<2048x32xf32>, vector<2048x32xf32> -> vector<2048x32xf32>
      %swap3A_233 = arith.constant 10240 : index
      %swap3A_234 = arith.constant 0 : index
      %swap3A_235 = vector.load %arg7[%swap3A_233, %swap3A_234] : memref<16384x32xf32, #tpu.memory_space<vmem>>, vector<2048x32xf32>
      tpu.vector_store %arg7[%swap3A_233, %swap3A_234], %dot_general3A_232 {strides = array<i32>} : memref<16384x32xf32, #tpu.memory_space<vmem>>, vector<2048x32xf32>,
      %slice3A_236 = vector.extract_strided_slice %div3A_193 {offsets = [2048, 0], sizes = [2048, 32], strides = [1, 1]} : vector<16384x32xf32> to vector<2048x32xf32>
      %dot_general3A_237 = arith.constant dense<0.000000e+00> : vector<2048x32xf32>
      %dot_general3A_238 = tpu.matmul %convert_element_type3A_200, %slice3A_236, %dot_general3A_237 {dimension_numbers = #tpu.dot_dimension_numbers<[1], [0], [0], [1], [0, 0, 1, 1], [], []>, transpose_lhs_hint = false} : vector<2048x2048xf32>, vector<2048x32xf32>, vector<2048x32xf32> -> vector<2048x32xf32>
      %swap3A_239 = arith.constant 12288 : index
      %swap3A_240 = arith.constant 0 : index
      %swap3A_241 = vector.load %arg7[%swap3A_239, %swap3A_240] : memref<16384x32xf32, #tpu.memory_space<vmem>>, vector<2048x32xf32>
      tpu.vector_store %arg7[%swap3A_239, %swap3A_240], %dot_general3A_238 {strides = array<i32>} : memref<16384x32xf32, #tpu.memory_space<vmem>>, vector<2048x32xf32>,
      %slice3A_242 = vector.extract_strided_slice %div3A_193 {offsets = [0, 0], sizes = [2048, 32], strides = [1, 1]} : vector<16384x32xf32> to vector<2048x32xf32>
      %dot_general3A_243 = arith.constant dense<0.000000e+00> : vector<2048x32xf32>
      %dot_general3A_244 = tpu.matmul %convert_element_type3A_200, %slice3A_242, %dot_general3A_243 {dimension_numbers = #tpu.dot_dimension_numbers<[1], [0], [0], [1], [0, 0, 1, 1], [], []>, transpose_lhs_hint = false} : vector<2048x2048xf32>, vector<2048x32xf32>, vector<2048x32xf32> -> vector<2048x32xf32>
      %swap3A_245 = arith.constant 14336 : index
      %swap3A_246 = arith.constant 0 : index
      %swap3A_247 = vector.load %arg7[%swap3A_245, %swap3A_246] : memref<16384x32xf32, #tpu.memory_space<vmem>>, vector<2048x32xf32>
      tpu.vector_store %arg7[%swap3A_245, %swap3A_246], %dot_general3A_244 {strides = array<i32>} : memref<16384x32xf32, #tpu.memory_space<vmem>>, vector<2048x32xf32>,
    } else {
    }
    %get3A = arith.constant 0 : index
    %get3A_2 = arith.constant 0 : index
    %get3A_3 = arith.constant 0 : index
    %get3A_4 = vector.load %arg1[%get3A, %get3A_2, %get3A_3] : memref<1x512x1024xf32, #tpu.memory_space<vmem>>, vector<1x512x1024xf32>
    %get3A_5 = vector.shape_cast %get3A_4 : vector<1x512x1024xf32> to vector<512x1024xf32>
    %get3A_6 = arith.constant 0 : index
    %get3A_7 = arith.constant 0 : index
    %get3A_8 = vector.load %arg3[%get3A_6, %get3A_7] : memref<32x512xf32, #tpu.memory_space<vmem>>, vector<32x512xf32>
    %dot_general3A = arith.constant dense<0.000000e+00> : vector<32x1024xf32>
    %dot_general3A_9 = tpu.matmul %get3A_8, %get3A_5, %dot_general3A {dimension_numbers = #tpu.dot_dimension_numbers<[1], [0], [0], [1], [0, 0, 1, 1], [], []>, transpose_lhs_hint = false} : vector<32x512xf32>, vector<512x1024xf32>, vector<32x1024xf32> -> vector<32x1024xf32>
    %get3A_10 = arith.constant 0 : index
    %get3A_11 = arith.constant 0 : index
    %get3A_12 = vector.load %arg4[%get3A_10, %get3A_11] : memref<32x1xf32, #tpu.memory_space<vmem>>, vector<32x1xf32>
    %add3A = vector.broadcast %get3A_12 : vector<32x1xf32> to vector<32x1024xf32>
    %add3A_13 = arith.addf %dot_general3A_9, %add3A : vector<32x1024xf32>
    %mul3A = arith.mulf %add3A_13, %add3A_13 : vector<32x1024xf32>
    %reduce_sum3A = arith.constant dense<0.000000e+00> : vector<1024xf32>
    %reduce_sum3A_14 = vector.multi_reduction <add>, %mul3A, %reduce_sum3A [0] : vector<32x1024xf32> to vector<1024xf32>
    %broadcast_in_dim3A = vector.shape_cast %reduce_sum3A_14 : vector<1024xf32> to vector<1x1024xf32>
    %sqrt3A = math.sqrt %broadcast_in_dim3A : vector<1x1024xf32>
    %max3A = arith.constant 9.99999997E-7 : f32
    %max3A_15 = vector.broadcast %max3A : f32 to vector<1x1024xf32>
    %max3A_16 = arith.maximumf %sqrt3A, %max3A_15 : vector<1x1024xf32>
    %div3A = vector.broadcast %max3A_16 : vector<1x1024xf32> to vector<32x1024xf32>
    %div3A_17 = arith.divf %add3A_13, %div3A : vector<32x1024xf32>
    %broadcast_in_dim3A_18 = arith.constant 0xFF800000 : f32
    %broadcast_in_dim3A_19 = vector.broadcast %broadcast_in_dim3A_18 : f32 to vector<1x1024xf32>
    %broadcast_in_dim3A_20 = arith.constant 0 : i32
    %broadcast_in_dim3A_21 = vector.broadcast %broadcast_in_dim3A_20 : i32 to vector<1x1024xi32>
    %get3A_22 = arith.constant 0 : index
    %get3A_23 = arith.constant 0 : index
    %get3A_24 = vector.load %arg7[%get3A_22, %get3A_23] : memref<16384x32xf32, #tpu.memory_space<vmem>>, vector<2048x32xf32>
    %dot_general3A_25 = arith.constant dense<0.000000e+00> : vector<2048x1024xf32>
    %dot_general3A_26 = tpu.matmul %get3A_24, %div3A_17, %dot_general3A_25 {dimension_numbers = #tpu.dot_dimension_numbers<[1], [0], [0], [1], [0, 0, 1, 1], [], []>, transpose_lhs_hint = false} : vector<2048x32xf32>, vector<32x1024xf32>, vector<2048x1024xf32> -> vector<2048x1024xf32>
    %reduce_max3A = arith.constant dense<0xFF800000> : vector<1024xf32>
    %reduce_max3A_27 = vector.multi_reduction <maximumf>, %dot_general3A_26, %reduce_max3A [0] : vector<2048x1024xf32> to vector<1024xf32>
    %broadcast_in_dim3A_28 = vector.shape_cast %reduce_max3A_27 : vector<1024xf32> to vector<1x1024xf32>
    %argmax3A = tpu.reduce_index %dot_general3A_26 {axis = 0 : i32, kind = #tpu.reduction_kind<arg_max>} : vector<2048x1024xf32> -> vector<1024xi32>
    %reshape3A = vector.shape_cast %argmax3A : vector<1024xi32> to vector<1x1024xi32>
    %add3A_29 = arith.constant 0 : i32
    %add3A_30 = vector.broadcast %add3A_29 : i32 to vector<1x1024xi32>
    %add3A_31 = arith.addi %reshape3A, %add3A_30 : vector<1x1024xi32>
    %ge3A = arith.cmpf oge, %broadcast_in_dim3A_28, %broadcast_in_dim3A_19 : vector<1x1024xf32>
    %select_n3A = arith.select %ge3A, %add3A_31, %broadcast_in_dim3A_21 : vector<1x1024xi1>, vector<1x1024xi32>
    %select_n3A_32 = arith.select %ge3A, %broadcast_in_dim3A_28, %broadcast_in_dim3A_19 : vector<1x1024xi1>, vector<1x1024xf32>
    %get3A_33 = arith.constant 2048 : index
    %get3A_34 = arith.constant 0 : index
    %get3A_35 = vector.load %arg7[%get3A_33, %get3A_34] : memref<16384x32xf32, #tpu.memory_space<vmem>>, vector<2048x32xf32>
    %dot_general3A_36 = arith.constant dense<0.000000e+00> : vector<2048x1024xf32>
    %dot_general3A_37 = tpu.matmul %get3A_35, %div3A_17, %dot_general3A_36 {dimension_numbers = #tpu.dot_dimension_numbers<[1], [0], [0], [1], [0, 0, 1, 1], [], []>, transpose_lhs_hint = false} : vector<2048x32xf32>, vector<32x1024xf32>, vector<2048x1024xf32> -> vector<2048x1024xf32>
    %reduce_max3A_38 = arith.constant dense<0xFF800000> : vector<1024xf32>
    %reduce_max3A_39 = vector.multi_reduction <maximumf>, %dot_general3A_37, %reduce_max3A_38 [0] : vector<2048x1024xf32> to vector<1024xf32>
    %broadcast_in_dim3A_40 = vector.shape_cast %reduce_max3A_39 : vector<1024xf32> to vector<1x1024xf32>
    %argmax3A_41 = tpu.reduce_index %dot_general3A_37 {axis = 0 : i32, kind = #tpu.reduction_kind<arg_max>} : vector<2048x1024xf32> -> vector<1024xi32>
    %reshape3A_42 = vector.shape_cast %argmax3A_41 : vector<1024xi32> to vector<1x1024xi32>
    %add3A_43 = arith.constant 2048 : i32
    %add3A_44 = vector.broadcast %add3A_43 : i32 to vector<1x1024xi32>
    %add3A_45 = arith.addi %reshape3A_42, %add3A_44 : vector<1x1024xi32>
    %ge3A_46 = arith.cmpf oge, %broadcast_in_dim3A_40, %select_n3A_32 : vector<1x1024xf32>
    %select_n3A_47 = arith.select %ge3A_46, %add3A_45, %select_n3A : vector<1x1024xi1>, vector<1x1024xi32>
    %select_n3A_48 = arith.select %ge3A_46, %broadcast_in_dim3A_40, %select_n3A_32 : vector<1x1024xi1>, vector<1x1024xf32>
    %get3A_49 = arith.constant 4096 : index
    %get3A_50 = arith.constant 0 : index
    %get3A_51 = vector.load %arg7[%get3A_49, %get3A_50] : memref<16384x32xf32, #tpu.memory_space<vmem>>, vector<2048x32xf32>
    %dot_general3A_52 = arith.constant dense<0.000000e+00> : vector<2048x1024xf32>
    %dot_general3A_53 = tpu.matmul %get3A_51, %div3A_17, %dot_general3A_52 {dimension_numbers = #tpu.dot_dimension_numbers<[1], [0], [0], [1], [0, 0, 1, 1], [], []>, transpose_lhs_hint = false} : vector<2048x32xf32>, vector<32x1024xf32>, vector<2048x1024xf32> -> vector<2048x1024xf32>
    %reduce_max3A_54 = arith.constant dense<0xFF800000> : vector<1024xf32>
    %reduce_max3A_55 = vector.multi_reduction <maximumf>, %dot_general3A_53, %reduce_max3A_54 [0] : vector<2048x1024xf32> to vector<1024xf32>
    %broadcast_in_dim3A_56 = vector.shape_cast %reduce_max3A_55 : vector<1024xf32> to vector<1x1024xf32>
    %argmax3A_57 = tpu.reduce_index %dot_general3A_53 {axis = 0 : i32, kind = #tpu.reduction_kind<arg_max>} : vector<2048x1024xf32> -> vector<1024xi32>
    %reshape3A_58 = vector.shape_cast %argmax3A_57 : vector<1024xi32> to vector<1x1024xi32>
    %add3A_59 = arith.constant 4096 : i32
    %add3A_60 = vector.broadcast %add3A_59 : i32 to vector<1x1024xi32>
    %add3A_61 = arith.addi %reshape3A_58, %add3A_60 : vector<1x1024xi32>
    %ge3A_62 = arith.cmpf oge, %broadcast_in_dim3A_56, %select_n3A_48 : vector<1x1024xf32>
    %select_n3A_63 = arith.select %ge3A_62, %add3A_61, %select_n3A_47 : vector<1x1024xi1>, vector<1x1024xi32>
    %select_n3A_64 = arith.select %ge3A_62, %broadcast_in_dim3A_56, %select_n3A_48 : vector<1x1024xi1>, vector<1x1024xf32>
    %get3A_65 = arith.constant 6144 : index
    %get3A_66 = arith.constant 0 : index
    %get3A_67 = vector.load %arg7[%get3A_65, %get3A_66] : memref<16384x32xf32, #tpu.memory_space<vmem>>, vector<2048x32xf32>
    %dot_general3A_68 = arith.constant dense<0.000000e+00> : vector<2048x1024xf32>
    %dot_general3A_69 = tpu.matmul %get3A_67, %div3A_17, %dot_general3A_68 {dimension_numbers = #tpu.dot_dimension_numbers<[1], [0], [0], [1], [0, 0, 1, 1], [], []>, transpose_lhs_hint = false} : vector<2048x32xf32>, vector<32x1024xf32>, vector<2048x1024xf32> -> vector<2048x1024xf32>
    %reduce_max3A_70 = arith.constant dense<0xFF800000> : vector<1024xf32>
    %reduce_max3A_71 = vector.multi_reduction <maximumf>, %dot_general3A_69, %reduce_max3A_70 [0] : vector<2048x1024xf32> to vector<1024xf32>
    %broadcast_in_dim3A_72 = vector.shape_cast %reduce_max3A_71 : vector<1024xf32> to vector<1x1024xf32>
    %argmax3A_73 = tpu.reduce_index %dot_general3A_69 {axis = 0 : i32, kind = #tpu.reduction_kind<arg_max>} : vector<2048x1024xf32> -> vector<1024xi32>
    %reshape3A_74 = vector.shape_cast %argmax3A_73 : vector<1024xi32> to vector<1x1024xi32>
    %add3A_75 = arith.constant 6144 : i32
    %add3A_76 = vector.broadcast %add3A_75 : i32 to vector<1x1024xi32>
    %add3A_77 = arith.addi %reshape3A_74, %add3A_76 : vector<1x1024xi32>
    %ge3A_78 = arith.cmpf oge, %broadcast_in_dim3A_72, %select_n3A_64 : vector<1x1024xf32>
    %select_n3A_79 = arith.select %ge3A_78, %add3A_77, %select_n3A_63 : vector<1x1024xi1>, vector<1x1024xi32>
    %select_n3A_80 = arith.select %ge3A_78, %broadcast_in_dim3A_72, %select_n3A_64 : vector<1x1024xi1>, vector<1x1024xf32>
    %get3A_81 = arith.constant 8192 : index
    %get3A_82 = arith.constant 0 : index
    %get3A_83 = vector.load %arg7[%get3A_81, %get3A_82] : memref<16384x32xf32, #tpu.memory_space<vmem>>, vector<2048x32xf32>
    %dot_general3A_84 = arith.constant dense<0.000000e+00> : vector<2048x1024xf32>
    %dot_general3A_85 = tpu.matmul %get3A_83, %div3A_17, %dot_general3A_84 {dimension_numbers = #tpu.dot_dimension_numbers<[1], [0], [0], [1], [0, 0, 1, 1], [], []>, transpose_lhs_hint = false} : vector<2048x32xf32>, vector<32x1024xf32>, vector<2048x1024xf32> -> vector<2048x1024xf32>
    %reduce_max3A_86 = arith.constant dense<0xFF800000> : vector<1024xf32>
    %reduce_max3A_87 = vector.multi_reduction <maximumf>, %dot_general3A_85, %reduce_max3A_86 [0] : vector<2048x1024xf32> to vector<1024xf32>
    %broadcast_in_dim3A_88 = vector.shape_cast %reduce_max3A_87 : vector<1024xf32> to vector<1x1024xf32>
    %argmax3A_89 = tpu.reduce_index %dot_general3A_85 {axis = 0 : i32, kind = #tpu.reduction_kind<arg_max>} : vector<2048x1024xf32> -> vector<1024xi32>
    %reshape3A_90 = vector.shape_cast %argmax3A_89 : vector<1024xi32> to vector<1x1024xi32>
    %add3A_91 = arith.constant 8192 : i32
    %add3A_92 = vector.broadcast %add3A_91 : i32 to vector<1x1024xi32>
    %add3A_93 = arith.addi %reshape3A_90, %add3A_92 : vector<1x1024xi32>
    %ge3A_94 = arith.cmpf oge, %broadcast_in_dim3A_88, %select_n3A_80 : vector<1x1024xf32>
    %select_n3A_95 = arith.select %ge3A_94, %add3A_93, %select_n3A_79 : vector<1x1024xi1>, vector<1x1024xi32>
    %select_n3A_96 = arith.select %ge3A_94, %broadcast_in_dim3A_88, %select_n3A_80 : vector<1x1024xi1>, vector<1x1024xf32>
    %get3A_97 = arith.constant 10240 : index
    %get3A_98 = arith.constant 0 : index
    %get3A_99 = vector.load %arg7[%get3A_97, %get3A_98] : memref<16384x32xf32, #tpu.memory_space<vmem>>, vector<2048x32xf32>
    %dot_general3A_100 = arith.constant dense<0.000000e+00> : vector<2048x1024xf32>
    %dot_general3A_101 = tpu.matmul %get3A_99, %div3A_17, %dot_general3A_100 {dimension_numbers = #tpu.dot_dimension_numbers<[1], [0], [0], [1], [0, 0, 1, 1], [], []>, transpose_lhs_hint = false} : vector<2048x32xf32>, vector<32x1024xf32>, vector<2048x1024xf32> -> vector<2048x1024xf32>
    %reduce_max3A_102 = arith.constant dense<0xFF800000> : vector<1024xf32>
    %reduce_max3A_103 = vector.multi_reduction <maximumf>, %dot_general3A_101, %reduce_max3A_102 [0] : vector<2048x1024xf32> to vector<1024xf32>
    %broadcast_in_dim3A_104 = vector.shape_cast %reduce_max3A_103 : vector<1024xf32> to vector<1x1024xf32>
    %argmax3A_105 = tpu.reduce_index %dot_general3A_101 {axis = 0 : i32, kind = #tpu.reduction_kind<arg_max>} : vector<2048x1024xf32> -> vector<1024xi32>
    %reshape3A_106 = vector.shape_cast %argmax3A_105 : vector<1024xi32> to vector<1x1024xi32>
    %add3A_107 = arith.constant 10240 : i32
    %add3A_108 = vector.broadcast %add3A_107 : i32 to vector<1x1024xi32>
    %add3A_109 = arith.addi %reshape3A_106, %add3A_108 : vector<1x1024xi32>
    %ge3A_110 = arith.cmpf oge, %broadcast_in_dim3A_104, %select_n3A_96 : vector<1x1024xf32>
    %select_n3A_111 = arith.select %ge3A_110, %add3A_109, %select_n3A_95 : vector<1x1024xi1>, vector<1x1024xi32>
    %select_n3A_112 = arith.select %ge3A_110, %broadcast_in_dim3A_104, %select_n3A_96 : vector<1x1024xi1>, vector<1x1024xf32>
    %get3A_113 = arith.constant 12288 : index
    %get3A_114 = arith.constant 0 : index
    %get3A_115 = vector.load %arg7[%get3A_113, %get3A_114] : memref<16384x32xf32, #tpu.memory_space<vmem>>, vector<2048x32xf32>
    %dot_general3A_116 = arith.constant dense<0.000000e+00> : vector<2048x1024xf32>
    %dot_general3A_117 = tpu.matmul %get3A_115, %div3A_17, %dot_general3A_116 {dimension_numbers = #tpu.dot_dimension_numbers<[1], [0], [0], [1], [0, 0, 1, 1], [], []>, transpose_lhs_hint = false} : vector<2048x32xf32>, vector<32x1024xf32>, vector<2048x1024xf32> -> vector<2048x1024xf32>
    %reduce_max3A_118 = arith.constant dense<0xFF800000> : vector<1024xf32>
    %reduce_max3A_119 = vector.multi_reduction <maximumf>, %dot_general3A_117, %reduce_max3A_118 [0] : vector<2048x1024xf32> to vector<1024xf32>
    %broadcast_in_dim3A_120 = vector.shape_cast %reduce_max3A_119 : vector<1024xf32> to vector<1x1024xf32>
    %argmax3A_121 = tpu.reduce_index %dot_general3A_117 {axis = 0 : i32, kind = #tpu.reduction_kind<arg_max>} : vector<2048x1024xf32> -> vector<1024xi32>
    %reshape3A_122 = vector.shape_cast %argmax3A_121 : vector<1024xi32> to vector<1x1024xi32>
    %add3A_123 = arith.constant 12288 : i32
    %add3A_124 = vector.broadcast %add3A_123 : i32 to vector<1x1024xi32>
    %add3A_125 = arith.addi %reshape3A_122, %add3A_124 : vector<1x1024xi32>
    %ge3A_126 = arith.cmpf oge, %broadcast_in_dim3A_120, %select_n3A_112 : vector<1x1024xf32>
    %select_n3A_127 = arith.select %ge3A_126, %add3A_125, %select_n3A_111 : vector<1x1024xi1>, vector<1x1024xi32>
    %select_n3A_128 = arith.select %ge3A_126, %broadcast_in_dim3A_120, %select_n3A_112 : vector<1x1024xi1>, vector<1x1024xf32>
    %get3A_129 = arith.constant 14336 : index
    %get3A_130 = arith.constant 0 : index
    %get3A_131 = vector.load %arg7[%get3A_129, %get3A_130] : memref<16384x32xf32, #tpu.memory_space<vmem>>, vector<2048x32xf32>
    %dot_general3A_132 = arith.constant dense<0.000000e+00> : vector<2048x1024xf32>
    %dot_general3A_133 = tpu.matmul %get3A_131, %div3A_17, %dot_general3A_132 {dimension_numbers = #tpu.dot_dimension_numbers<[1], [0], [0], [1], [0, 0, 1, 1], [], []>, transpose_lhs_hint = false} : vector<2048x32xf32>, vector<32x1024xf32>, vector<2048x1024xf32> -> vector<2048x1024xf32>
    %reduce_max3A_134 = arith.constant dense<0xFF800000> : vector<1024xf32>
    %reduce_max3A_135 = vector.multi_reduction <maximumf>, %dot_general3A_133, %reduce_max3A_134 [0] : vector<2048x1024xf32> to vector<1024xf32>
    %broadcast_in_dim3A_136 = vector.shape_cast %reduce_max3A_135 : vector<1024xf32> to vector<1x1024xf32>
    %argmax3A_137 = tpu.reduce_index %dot_general3A_133 {axis = 0 : i32, kind = #tpu.reduction_kind<arg_max>} : vector<2048x1024xf32> -> vector<1024xi32>
    %reshape3A_138 = vector.shape_cast %argmax3A_137 : vector<1024xi32> to vector<1x1024xi32>
    %add3A_139 = arith.constant 14336 : i32
    %add3A_140 = vector.broadcast %add3A_139 : i32 to vector<1x1024xi32>
    %add3A_141 = arith.addi %reshape3A_138, %add3A_140 : vector<1x1024xi32>
    %ge3A_142 = arith.cmpf oge, %broadcast_in_dim3A_136, %select_n3A_128 : vector<1x1024xf32>
    %select_n3A_143 = arith.select %ge3A_142, %add3A_141, %select_n3A_127 : vector<1x1024xi1>, vector<1x1024xi32>
    %select_n3A_144 = arith.select %ge3A_142, %broadcast_in_dim3A_136, %select_n3A_128 : vector<1x1024xi1>, vector<1x1024xf32>
    %sub3A = arith.constant 16383 : i32
    %sub3A_145 = vector.broadcast %sub3A : i32 to vector<1x1024xi32>
    %sub3A_146 = arith.subi %sub3A_145, %select_n3A_143 : vector<1x1024xi32>
    %swap3A = arith.constant 0 : index
    %swap3A_147 = arith.constant 0 : index
    %swap3A_148 = arith.constant 0 : index
    %swap3A_149 = vector.load %arg5[%swap3A, %swap3A_147, %swap3A_148] : memref<1x1x1024xi32, #tpu.memory_space<vmem>>, vector<1x1x1024xi32>
    %swap3A_150 = vector.shape_cast %swap3A_149 : vector<1x1x1024xi32> to vector<1x1024xi32>
    %swap3A_151 = vector.shape_cast %sub3A_146 : vector<1x1024xi32> to vector<1x1x1024xi32>
    tpu.vector_store %arg5[%swap3A, %swap3A_147, %swap3A_148], %swap3A_151 {strides = array<i32>} : memref<1x1x1024xi32, #tpu.memory_space<vmem>>, vector<1x1x1024xi32>,
    %get3A_152 = arith.constant 0 : index
    %get3A_153 = arith.constant 0 : index
    %get3A_154 = vector.load %arg8[%get3A_152, %get3A_153] : memref<1x1xf32, #tpu.memory_space<vmem>>, vector<1x1xf32>
    %mul3A_155 = arith.constant 2.000000e+00 : f32
    %mul3A_156 = vector.broadcast %mul3A_155 : f32 to vector<1x1024xf32>
    %mul3A_157 = arith.mulf %mul3A_156, %select_n3A_144 : vector<1x1024xf32>
    %sub3A_158 = arith.constant 2.000000e+00 : f32
    %sub3A_159 = vector.broadcast %sub3A_158 : f32 to vector<1x1024xf32>
    %sub3A_160 = arith.subf %sub3A_159, %mul3A_157 : vector<1x1024xf32>
    %reduce_sum3A_161 = vector.shape_cast %sub3A_160 : vector<1x1024xf32> to vector<1x1x1024xf32>
    %reduce_sum3A_162 = arith.constant dense<0.000000e+00> : vector<1xf32>
    %reduce_sum3A_163 = vector.multi_reduction <add>, %reduce_sum3A_161, %reduce_sum3A_162 [1, 2] : vector<1x1x1024xf32> to vector<1xf32>
    %reduce_sum3A_164 = vector.shape_cast %reduce_sum3A_163 : vector<1xf32> to vector<1x1x1xf32>
    %reduce_sum3A_165 = vector.extract %reduce_sum3A_164[0, 0, 0] : f32 from vector<1x1x1xf32>
    %reshape3A_166 = vector.broadcast %reduce_sum3A_165 : f32 to vector<1x1xf32>
    %add3A_167 = arith.addf %get3A_154, %reshape3A_166 : vector<1x1xf32>
    %swap3A_168 = arith.constant 0 : index
    %swap3A_169 = arith.constant 0 : index
    %swap3A_170 = vector.load %arg8[%swap3A_168, %swap3A_169] : memref<1x1xf32, #tpu.memory_space<vmem>>, vector<1x1xf32>
    tpu.vector_store %arg8[%swap3A_168, %swap3A_169], %add3A_167 {strides = array<i32>} : memref<1x1xf32, #tpu.memory_space<vmem>>, vector<1x1xf32>,
    %eq3A_171 = arith.constant 7 : i32
    %eq3A_172 = arith.cmpi eq, %arg0, %eq3A_171 : i32
    %convert_element_type3A_173 = arith.extui %eq3A_172 : i1 to i32
    %cond3A_174 = arith.constant 0 : i32
    %cond3A_175 = arith.cmpi ne, %convert_element_type3A_173, %cond3A_174 : i32
    scf.if %cond3A_175 {
      %get3A_176 = arith.constant 0 : index
      %get3A_177 = arith.constant 0 : index
      %get3A_178 = vector.load %arg8[%get3A_176, %get3A_177] : memref<1x1xf32, #tpu.memory_space<vmem>>, vector<1x1xf32>
      %div3A_179 = arith.constant 2.621440e+05 : f32
      %div3A_180 = vector.broadcast %div3A_179 : f32 to vector<1x1xf32>
      %div3A_181 = arith.divf %get3A_178, %div3A_180 : vector<1x1xf32>
      %swap3A_182 = arith.constant 0 : index
      %swap3A_183 = arith.constant 0 : index
      %swap3A_184 = vector.load %arg6[%swap3A_182, %swap3A_183] : memref<1x1xf32, #tpu.memory_space<vmem>>, vector<1x1xf32>
      tpu.vector_store %arg6[%swap3A_182, %swap3A_183], %div3A_181 {strides = array<i32>} : memref<1x1xf32, #tpu.memory_space<vmem>>, vector<1x1xf32>,
    } else {
    }
    return
  }
  func.func @transform_0(%arg0: i32) -> (i32, i32, i32) {
    %c0_i32 = arith.constant 0 : i32
    %c0_i32_0 = arith.constant 0 : i32
    %c0_i32_1 = arith.constant 0 : i32
    return %arg0, %c0_i32, %c0_i32_0 : i32, i32, i32
  }
  func.func @transform_1(%arg0: i32) -> (i32, i32) {
    %c0_i32 = arith.constant 0 : i32
    %c0_i32_0 = arith.constant 0 : i32
    %c0_i32_1 = arith.constant 0 : i32
    return %c0_i32, %c0_i32_0 : i32, i32
  }
  func.func @transform_2(%arg0: i32) -> (i32, i32) {
    %c0_i32 = arith.constant 0 : i32
    %c0_i32_0 = arith.constant 0 : i32
    %c0_i32_1 = arith.constant 0 : i32
    return %c0_i32, %c0_i32_0 : i32, i32
  }
  func.func @transform_3(%arg0: i32) -> (i32, i32) {
    %c0_i32 = arith.constant 0 : i32
    %c0_i32_0 = arith.constant 0 : i32
    %c0_i32_1 = arith.constant 0 : i32
    return %c0_i32, %c0_i32_0 : i32, i32
  }
  func.func @transform_4(%arg0: i32) -> (i32, i32, i32) {
    %c0_i32 = arith.constant 0 : i32
    %c0_i32_0 = arith.constant 0 : i32
    %c0_i32_1 = arith.constant 0 : i32
    return %arg0, %c0_i32, %c0_i32_0 : i32, i32, i32
  }
  func.func @transform_5(%arg0: i32) -> (i32, i32) {
    %c0_i32 = arith.constant 0 : i32
    %c0_i32_0 = arith.constant 0 : i32
    %c0_i32_1 = arith.constant 0 : i32
    return %c0_i32, %c0_i32_0 : i32, i32
  }
}

module attributes {stable_mosaic.version = 14 : i64} {
  func.func @_expand_kernel(%arg0: i32, %arg1: memref<1x1024x32xf32, #tpu.memory_space<vmem>>, %arg2: memref<512x32xf32, #tpu.memory_space<vmem>>, %arg3: memref<512x1xf32, #tpu.memory_space<vmem>>, %arg4: memref<32x16384xf32, #tpu.memory_space<vmem>>, %arg5: memref<1x512x1024xf32, #tpu.memory_space<vmem>>, %arg6: memref<1x1xf32, #tpu.memory_space<vmem>>) attributes {dimension_semantics = [#tpu.dimension_semantics<arbitrary>], iteration_bounds = array<i64: 8>, scalar_prefetch = 0 : i64, scratch_operands = 0 : i64, tpu.core_type = #tpu.core_type<tc>, window_params = [{transform_indices = @transform_0, window_bounds = array<i64: 1, 1024, 32>}, {pipeline_mode = #tpu.pipeline_mode<synchronous>, transform_indices = @transform_1, window_bounds = array<i64: 512, 32>}, {pipeline_mode = #tpu.pipeline_mode<synchronous>, transform_indices = @transform_2, window_bounds = array<i64: 512, 1>}, {pipeline_mode = #tpu.pipeline_mode<synchronous>, transform_indices = @transform_3, window_bounds = array<i64: 32, 16384>}, {transform_indices = @transform_4, window_bounds = array<i64: 1, 512, 1024>}, {pipeline_mode = #tpu.pipeline_mode<synchronous>, transform_indices = @transform_5, window_bounds = array<i64: 1, 1>}]} {
    %get3A = arith.constant 0 : index
    %get3A_0 = arith.constant 0 : index
    %get3A_1 = arith.constant 0 : index
    %get3A_2 = vector.load %arg1[%get3A, %get3A_0, %get3A_1] : memref<1x1024x32xf32, #tpu.memory_space<vmem>>, vector<1x1024x32xf32>
    %get3A_3 = vector.shape_cast %get3A_2 : vector<1x1024x32xf32> to vector<1024x32xf32>
    %mul3A = arith.mulf %get3A_3, %get3A_3 : vector<1024x32xf32>
    %reduce_sum3A = arith.constant dense<0.000000e+00> : vector<1024xf32>
    %reduce_sum3A_4 = vector.multi_reduction <add>, %mul3A, %reduce_sum3A [1] : vector<1024x32xf32> to vector<1024xf32>
    %broadcast_in_dim3A = vector.shape_cast %reduce_sum3A_4 : vector<1024xf32> to vector<1024x1xf32>
    %sqrt3A = math.sqrt %broadcast_in_dim3A : vector<1024x1xf32>
    %max3A = arith.constant 9.99999997E-7 : f32
    %max3A_5 = vector.broadcast %max3A : f32 to vector<1024x1xf32>
    %max3A_6 = arith.maximumf %sqrt3A, %max3A_5 : vector<1024x1xf32>
    %div3A = vector.broadcast %max3A_6 : vector<1024x1xf32> to vector<1024x32xf32>
    %div3A_7 = arith.divf %get3A_3, %div3A : vector<1024x32xf32>
    %get3A_8 = arith.constant 0 : index
    %get3A_9 = arith.constant 0 : index
    %get3A_10 = vector.load %arg2[%get3A_8, %get3A_9] : memref<512x32xf32, #tpu.memory_space<vmem>>, vector<512x32xf32>
    %dot_general3A = arith.constant dense<0.000000e+00> : vector<512x1024xf32>
    %dot_general3A_11 = tpu.matmul %get3A_10, %div3A_7, %dot_general3A {dimension_numbers = #tpu.dot_dimension_numbers<[1], [1], [0], [0], [0, 0, 1, 0], [], []>, transpose_lhs_hint = false} : vector<512x32xf32>, vector<1024x32xf32>, vector<512x1024xf32> -> vector<512x1024xf32>
    %get3A_12 = arith.constant 0 : index
    %get3A_13 = arith.constant 0 : index
    %get3A_14 = vector.load %arg3[%get3A_12, %get3A_13] : memref<512x1xf32, #tpu.memory_space<vmem>>, vector<512x1xf32>
    %add3A = vector.broadcast %get3A_14 : vector<512x1xf32> to vector<512x1024xf32>
    %add3A_15 = arith.addf %dot_general3A_11, %add3A : vector<512x1024xf32>
    %swap3A = arith.constant 0 : index
    %swap3A_16 = arith.constant 0 : index
    %swap3A_17 = arith.constant 0 : index
    %swap3A_18 = vector.load %arg5[%swap3A, %swap3A_16, %swap3A_17] : memref<1x512x1024xf32, #tpu.memory_space<vmem>>, vector<1x512x1024xf32>
    %swap3A_19 = vector.shape_cast %swap3A_18 : vector<1x512x1024xf32> to vector<512x1024xf32>
    %swap3A_20 = vector.shape_cast %add3A_15 : vector<512x1024xf32> to vector<1x512x1024xf32>
    tpu.vector_store %arg5[%swap3A, %swap3A_16, %swap3A_17], %swap3A_20 {strides = array<i32>} : memref<1x512x1024xf32, #tpu.memory_space<vmem>>, vector<1x512x1024xf32>,
    %eq3A = arith.constant 0 : i32
    %eq3A_21 = arith.cmpi eq, %arg0, %eq3A : i32
    %convert_element_type3A = arith.extui %eq3A_21 : i1 to i32
    %cond3A = arith.constant 0 : i32
    %cond3A_22 = arith.cmpi ne, %convert_element_type3A, %cond3A : i32
    scf.if %cond3A_22 {
      %get3A_23 = arith.constant 0 : index
      %get3A_24 = arith.constant 0 : index
      %get3A_25 = vector.load %arg4[%get3A_23, %get3A_24] : memref<32x16384xf32, #tpu.memory_space<vmem>>, vector<32x16384xf32>
      %reduce_sum3A_26 = arith.constant dense<0.000000e+00> : vector<16384xf32>
      %reduce_sum3A_27 = vector.multi_reduction <add>, %get3A_25, %reduce_sum3A_26 [0] : vector<32x16384xf32> to vector<16384xf32>
      %broadcast_in_dim3A_28 = vector.shape_cast %reduce_sum3A_27 : vector<16384xf32> to vector<1x16384xf32>
      %div3A_29 = arith.constant 8.192000e+03 : f32
      %div3A_30 = vector.broadcast %div3A_29 : f32 to vector<1x16384xf32>
      %div3A_31 = arith.divf %broadcast_in_dim3A_28, %div3A_30 : vector<1x16384xf32>
      %neg3A = arith.constant 0.000000e+00 : f32
      %neg3A_32 = vector.broadcast %neg3A : f32 to vector<1x16384xf32>
      %neg3A_33 = arith.subf %neg3A_32, %div3A_31 : vector<1x16384xf32>
      %add3A_34 = arith.constant 9.99999997E-7 : f32
      %add3A_35 = vector.broadcast %add3A_34 : f32 to vector<1x16384xf32>
      %add3A_36 = arith.addf %div3A_31, %add3A_35 : vector<1x16384xf32>
      %log3A = math.log %add3A_36 : vector<1x16384xf32>
      %mul3A_37 = arith.mulf %neg3A_33, %log3A : vector<1x16384xf32>
      %reduce_sum3A_38 = vector.shape_cast %mul3A_37 : vector<1x16384xf32> to vector<1x1x16384xf32>
      %reduce_sum3A_39 = arith.constant dense<0.000000e+00> : vector<1xf32>
      %reduce_sum3A_40 = vector.multi_reduction <add>, %reduce_sum3A_38, %reduce_sum3A_39 [1, 2] : vector<1x1x16384xf32> to vector<1xf32>
      %reduce_sum3A_41 = vector.shape_cast %reduce_sum3A_40 : vector<1xf32> to vector<1x1x1xf32>
      %reduce_sum3A_42 = vector.extract %reduce_sum3A_41[0, 0, 0] : f32 from vector<1x1x1xf32>
      %exp3A = math.exp %reduce_sum3A_42 : f32
      %reshape3A = vector.broadcast %exp3A : f32 to vector<1x1xf32>
      %swap3A_43 = arith.constant 0 : index
      %swap3A_44 = arith.constant 0 : index
      %swap3A_45 = vector.load %arg6[%swap3A_43, %swap3A_44] : memref<1x1xf32, #tpu.memory_space<vmem>>, vector<1x1xf32>
      tpu.vector_store %arg6[%swap3A_43, %swap3A_44], %reshape3A {strides = array<i32>} : memref<1x1xf32, #tpu.memory_space<vmem>>, vector<1x1xf32>,
    } else {
    }
    return
  }
  func.func @transform_0(%arg0: i32) -> (i32, i32, i32) {
    %c0_i32 = arith.constant 0 : i32
    %c0_i32_0 = arith.constant 0 : i32
    %c0_i32_1 = arith.constant 0 : i32
    return %arg0, %c0_i32, %c0_i32_0 : i32, i32, i32
  }
  func.func @transform_1(%arg0: i32) -> (i32, i32) {
    %c0_i32 = arith.constant 0 : i32
    %c0_i32_0 = arith.constant 0 : i32
    %c0_i32_1 = arith.constant 0 : i32
    return %c0_i32, %c0_i32_0 : i32, i32
  }
  func.func @transform_2(%arg0: i32) -> (i32, i32) {
    %c0_i32 = arith.constant 0 : i32
    %c0_i32_0 = arith.constant 0 : i32
    %c0_i32_1 = arith.constant 0 : i32
    return %c0_i32, %c0_i32_0 : i32, i32
  }
  func.func @transform_3(%arg0: i32) -> (i32, i32) {
    %c0_i32 = arith.constant 0 : i32
    %c0_i32_0 = arith.constant 0 : i32
    %c0_i32_1 = arith.constant 0 : i32
    return %c0_i32, %c0_i32_0 : i32, i32
  }
  func.func @transform_4(%arg0: i32) -> (i32, i32, i32) {
    %c0_i32 = arith.constant 0 : i32
    %c0_i32_0 = arith.constant 0 : i32
    %c0_i32_1 = arith.constant 0 : i32
    return %arg0, %c0_i32, %c0_i32_0 : i32, i32, i32
  }
  func.func @transform_5(%arg0: i32) -> (i32, i32) {
    %c0_i32 = arith.constant 0 : i32
    %c0_i32_0 = arith.constant 0 : i32
    %c0_i32_1 = arith.constant 0 : i32
    return %c0_i32, %c0_i32_0 : i32, i32
  }
}

</mosaic_0001>

<sc_bundles>
// kernel: kernel.5.cloned.1.call-start
scs
__scs_entry_jumppad:
0x0: {  	(pc) =	sbr.rel $0x88, $3  }
0x1: {  	(tag) =	ssettag $0x0;
	lr =	simm.s32 $0x1  }
0x2: {  	[smem:$0x3F9B] =	sst lr;
	_ =	strace $0xD0000000  }
0x3: {  	_ = 	snop  }
0x4: {  	_ = 	snop  }
0x5: {  	_ = 	snop  }
0x6: {  	_ = 	snop  }
0x7: {  	_ = 	snop  }
__scs_overlays_trampoline_lowered:
0x8: {  	[smem:$0x3FAA] =	sst s0  }
0x9: {  	[smem:$0x3FAB] =	sst s1  }
0xa: {  	[smem:$0x3FAC] =	sst s2  }
0xb: {  	[smem:$0x3FAD] =	sst s3  }
0xc: {  	[smem:$0x3FAE] =	sst s4  }
0xd: {  	[smem:$0x3FAF] =	sst s5  }
0xe: {  	[smem:$0x3FB0] =	sst s6  }
0xf: {  	[smem:$0x3FB1] =	sst s7  }
0x10: {  	[smem:$0x3FB2] =	sst s8  }
0x11: {  	[smem:$0x3FB3] =	sst s9;
	s0 =	simm.s32 @!p0 $0x0  }
0x12: {  	s1 =	sld [smem:$0x3F99];
	s0 =	simm.s32 @p0 $0x1  }
0x13: {  	[smem:$0x3FB4] =	sst s0;
	s0 =	simm.s32 @!p1 $0x0  }
0x14: {  	s2 =	sld [smem:$0x3F98];
	s0 =	simm.s32 @p1 $0x1  }
0x15: {  	[smem:$0x3FB5] =	sst s0;
	s0 =	simm.s32 @!p2 $0x0  }
0x16: {  	s3 =	sld [smem:$0x3FDB];
	s0 =	simm.s32 @p2 $0x1  }
0x17: {  	s4 =	simm.s32 $0x1BF5;
	[smem:$0x3FB7] =	sst s0  }
0x18: {  	s0 =	sld [smem:$0x3F9A];
	_ =	swait.ge [sflag:s4], $0x0  }
0x19: {  	s7 =	sld [smem:$0x3F9B]  }
0x1a: {  	s8 =	sadd.s32 $0xFFFFE003, lr  }
0x1b: {  	s9 =	sadd.s32 $0xFFFFFEF7, lr;
	s5 =	simm.s32 $0xFFFFFFFF;
	p2 =	slt.u32 s8, $0xFFFFF086  }
0x1c: {  	p1 =	slt.u32 s9, $0xF7A;
	s5 =	simm.s32 @!p2 $0x0  }
0x1d: {  	s5 =	simm.s32 @p1 $0x1;
	p0 =	seq.s32 s7, s2  }
0x1e: {  	s7 =	smul.u32 @!p0 $0xF7A, s2;
	p2 =	seq.s32 @!p0 s5, $0x0  }
0x1f: {  	s9 =	smul.u32 $0xF7A, s1;
	s8 =	simm.s32 @!p0 $0x1BF5;
	p2 =	por !p2, p0  }
0x20: {  	[sflag:s8] =	ssyncset.s32 @!p0 $0xFFFFF086;
	s6 =	sadd.s32 @!p0 s3, s7;
	s7 =	simm.s32 @!p0 $0x108  }
0x21: {  	s3 =	sadd.s32 s3, s9;
	s6 =	sadd.s32 @!p0 $0x88, s6;
	s7 =	simm.s32 @p2 $0x1082  }
0x22: {  	[simem:s7], [sflag:s8] =	dma.local @!p0 [hbm:s6], $0xF7A  }
0x23: {  	s9 =	sor.u32 $0xD0000000, s2;
	s6 =	simm.s32 $0x108;
	_ =	swait.ge @!p0 [sflag:s8], $0x0  }
0x24: {  	s3 =	sadd.s32 $0x88, s3;
	s6 =	simm.s32 @!p1 $0x1082;
	[sflag:s4] =	ssyncset.s32 $0xFFFFF086  }
0x25: {  	[simem:s6], [sflag:s4] =	dma.local [hbm:s3], $0xF7A  }
0x26: {  	[smem:$0x3F9B] =	sst s1;
	(tag) =	ssettag s2;
	_ =	strace s9  }
0x27: {  	s1 =	sld [smem:$0x3FAB]  }
0x28: {  	s2 =	sld [smem:$0x3FAC]  }
0x29: {  	s4 =	sld [smem:$0x3FAE]  }
0x2a: {  	p0 =	seq.s32 s5, $0x0;
	s5 =	sld [smem:$0x3FAF]  }
0x2b: {  	s6 =	sld [smem:$0x3FB0]  }
0x2c: {  	s7 =	sld [smem:$0x3FB1]  }
0x2d: {  	s3 =	simm.s32 $0x108;
	s8 =	sld [smem:$0x3FB2]  }
0x2e: {  	s3 =	simm.s32 @!p0 $0x1082;
	s9 =	sld [smem:$0x3FB3]  }
0x2f: {  	lr =	sadd.s32 s0, s3;
	s0 =	sld [smem:$0x3FAA]  }
0x30: {  	s3 =	sld [smem:$0x3FAD]  }
0x31: {  	[smem:$0x3FB6] =	sst s10  }
0x32: {  	s10 =	sld [smem:$0x3FB4];
	_ =	sdelay $0x3  }
0x33: {  	p0 =	seq.s32 s10, $0x1;
	s10 =	sld [smem:$0x3FB6];
	_ =	sdelay $0x3  }
0x34: {  	[smem:$0x3FB6] =	sst s10  }
0x35: {  	s10 =	sld [smem:$0x3FB5];
	_ =	sdelay $0x3  }
0x36: {  	p1 =	seq.s32 s10, $0x1;
	s10 =	sld [smem:$0x3FB6];
	_ =	sdelay $0x3  }
0x37: {  	[smem:$0x3FB6] =	sst s10  }
0x38: {  	s10 =	sld [smem:$0x3FB7]  }
0x39: {  	_ = 	snop;
	(pc) =	sbr.ind lr, $3  }
0x3a: {  	_ = 	snop  }
0x3b: {  	_ = 	snop  }
0x3c: {  	p2 =	seq.s32 s10, $0x1;
	s10 =	sld [smem:$0x3FB6]  }
0x3d: {  	_ =	shalt  }
0x3e: {  	_ =	shalt  }
0x3f: {  	_ =	shalt  }
0x40: {  	_ =	shalt  }
0x41: {  	_ =	shalt  }
0x42: {  	_ =	shalt  }
0x43: {  	_ =	shalt  }
0x44: {  	_ =	shalt  }
0x45: {  	_ =	shalt  }
0x46: {  	_ =	shalt  }
0x47: {  	_ =	shalt  }
0x48: {  	_ =	shalt  }
0x49: {  	_ =	shalt  }
0x4a: {  	_ =	shalt  }
0x4b: {  	_ =	shalt  }
0x4c: {  	_ =	shalt  }
0x4d: {  	_ =	shalt  }
0x4e: {  	_ =	shalt  }
0x4f: {  	_ =	shalt  }
0x50: {  	_ =	shalt  }
0x51: {  	_ =	shalt  }
0x52: {  	_ =	shalt  }
0x53: {  	_ =	shalt  }
0x54: {  	_ =	shalt  }
0x55: {  	_ =	shalt  }
0x56: {  	_ =	shalt  }
0x57: {  	_ =	shalt  }
0x58: {  	_ =	shalt  }
0x59: {  	_ =	shalt  }
0x5a: {  	_ =	shalt  }
0x5b: {  	_ =	shalt  }
0x5c: {  	_ =	shalt  }
0x5d: {  	_ =	shalt  }
0x5e: {  	_ =	shalt  }
0x5f: {  	_ =	shalt  }
0x60: {  	_ =	shalt  }
0x61: {  	_ =	shalt  }
0x62: {  	_ =	shalt  }
0x63: {  	_ =	shalt  }
0x64: {  	_ =	shalt  }
0x65: {  	_ =	shalt  }
0x66: {  	_ =	shalt  }
0x67: {  	_ =	shalt  }
0x68: {  	_ =	shalt  }
0x69: {  	_ =	shalt  }
0x6a: {  	_ =	shalt  }
0x6b: {  	_ =	shalt  }
0x6c: {  	_ =	shalt  }
0x6d: {  	_ =	shalt  }
0x6e: {  	_ =	shalt  }
0x6f: {  	_ =	shalt  }
0x70: {  	_ =	shalt  }
0x71: {  	_ =	shalt  }
0x72: {  	_ =	shalt  }
0x73: {  	_ =	shalt  }
0x74: {  	_ =	shalt  }
0x75: {  	_ =	shalt  }
0x76: {  	_ =	shalt  }
0x77: {  	_ =	shalt  }
0x78: {  	_ =	shalt  }
0x79: {  	_ =	shalt  }
0x7a: {  	_ =	shalt  }
0x7b: {  	_ =	shalt  }
0x7c: {  	_ =	shalt  }
0x7d: {  	_ =	shalt  }
0x7e: {  	_ =	shalt  }
0x7f: {  	_ =	shalt  }
0x80: {  	_ =	shalt  }
0x81: {  	_ =	shalt  }
0x82: {  	_ =	shalt  }
0x83: {  	_ =	shalt  }
0x84: {  	_ =	shalt  }
0x85: {  	_ =	shalt  }
0x86: {  	_ =	shalt  }
0x87: {  	_ =	shalt  }
.Lfunc_end0:
.L_simem_size_0:
called_computation_lowered:
.L_overlay_start_0:
0x88: {  	s2 =	sld [smem:$0x3FD9]  }
0x89: {  	s3 =	sld [smem:$0x3FFE];
	_ =	sdelay $0x1  }
0x8a: {  	s1 =	srdreg.scid  }
0x8b: {  	s0 =	sand.u32 $0x1, s1  }
0x8c: {  	s14 =	sshll.u32 s0, $0xA;
	s2 =	sadd.s32 s3, s2  }
0x8d: {  	s2 =	sadd.s32 s2, s14  }
0x8e: {  	[smem:$0x3FC2] =	sst s2  }
0x8f: {  	_ = 	snop  }
0x90: {  	s2 =	sld [smem:$0x3FD0];
	_ =	sdelay $0x2  }
0x91: {  	s15 =	simm.s32 $0xA;
	s4 =	simm.s32 $0x10  }
0x92: {  	[smem:s4], [sflag:s15] =	dma.local [hbm:s2], $0x1  }
0x93: {  	_ =	swait.eq [sflag:s15], $0x1  }
0x94: {  	[sflag:s15] =	ssyncset.done $0x0  }
0x95: {  	[sflag:s15] =	ssyncadd.s32 $0xFFFFFFFF  }
0x96: {  	s16 =	sld [smem:$0x10];
	(tm) =	ssettm $0x1  }
0x97: {  	s17 =	sld [smem:$0x3FFB];
	_ =	sdelay $0x3  }
0x98: {  	_ =	strace s17  }
0x99: {  	s3 =	sld [smem:$0x3FFC];
	_ =	sdelay $0x3  }
0x9a: {  	_ =	strace s3  }
0x9b: {  	s3 =	sld [smem:$0x3FFD];
	_ =	sdelay $0x3  }
0x9c: {  	_ =	strace s3  }
0x9d: {  	_ =	strace $0x8FFFFFFF  }
0x9e: {  	s18 =	sld [smem:$0x3FDB];
	_ =	sdelay $0x1  }
0x9f: {  	s19 =	simm.s32 $_scs_section_size  }
0xa0: {  	s5 =	simm.s32 $_size__tile_overlayer_lowered;
	s6 =	simm.s32 $_tile_overlayer_lowered  }
0xa1: {  	s22 =	simm.s32 $0x1BFF;
	s21 =	sshll.u32 s6, $0x1;
	s3 =	sadd.s32 s19, s18  }
0xa2: {  	s7 =	simm.s32 $0x0;
	s20 =	sshll.u32 s5, $0x1;
	s5 =	sadd.s32 s21, s3  }
0xa3: {  	[timem:s7], [sflag:s22] =	dma.local [hbm:s5], s20  }
0xa4: {  	_ =	swait.ge [sflag:s22], s20  }
0xa5: {  	s4 =	ssub.s32 $0x0, s20;
	[sflag:s22] =	ssyncset.done $0x0  }
0xa6: {  	[sflag:s22] =	ssyncadd.s32 s4;
	_ =	sdelay $0x1  }
0xa7: {  	s23 =	simm.s32 $0x1B8B  }
0xa8: {  	_ =	swait.ge [sflag:s23], $0x1  }
0xa9: {  	[sflag:s23] =	ssyncset.done $0x0  }
0xaa: {  	s25 =	simm.s32 $0x1B8E;
	s24 =	sld [smem:$0x3FFE];
	[sflag:s23] =	ssyncadd.s32 $0xFFFFFFFF  }
0xab: {  	s26 =	simm.s32 $execute0_lowered;
	[smem:$0x3FD2] =	sst s25  }
0xac: {  	s5 =	sshll.u32 s26, $0x1;
	_ =	strace $0x80000046;
	[dreg:$0x1] =	wrdreg $0xFFFFFFFF  }
0xad: {  	s28 =	simm.s32 $_size_execute0_lowered;
	s3 =	sadd.s32 s3, s5;
	[dreg:$0x0] =	wrdreg $0x0  }
0xae: {  	s5 =	sshll.u32 s28, $0x1;
	[dreg:$0x2] =	wrdreg s3  }
0xaf: {  	[dreg:$0x3] =	wrdreg s5  }
0xb0: {  	[dreg:$0x4] =	wrdreg $0xC0  }
0xb1: {  	_ =	task [dreg:s7], $0x5FFFF  }
0xb2: {  	[dreg:$0x1] =	wrdreg $0xFFFFFFFF  }
0xb3: {  	[dreg:$0x0] =	wrdreg $0x60  }
0xb4: {  	[dreg:$0x2] =	wrdreg s24  }
0xb5: {  	[dreg:$0x3] =	wrdreg s16  }
0xb6: {  	[dreg:$0x4] =	wrdreg $0x9  }
0xb7: {  	_ =	task.clear_ibuf [dreg:s7], $0x5FFFF;
	_ =	strace $0x90000046  }
0xb8: {  	s29 =	simm.s32 $0x9;
	_ =	strace $0x80000048  }
0xb9: {  	_ =	swait.ge [sflag:s29], $0x1  }
0xba: {  	[sflag:s29] =	ssyncadd.s32 $0xFFFFFFFF  }
0xbb: {  	_ =	strace $0x90000048  }
0xbc: {  	_ =	sfence  }
0xbd: {  	s30 =	sld [smem:$0x0];
	_ =	sdelay $0x2  }
0xbe: {  	s31 =	sshll.u32 s1, $0xD;
	s1 =	sshrl.u32 s1, $0x2  }
0xbf: {  	s3 =	sand.u32 $0x4000, s31;
	s1 =	sadd.s32 s1, s30  }
0xc0: {  	s0 =	sor.u32 s3, s0;
	s1 =	sshll.u32 s1, $0x11  }
0xc1: {  	s0 =	sor.u32 s1, s0  }
0xc2: {  	s0 =	sadd.s32 $0x8F2B, s0  }
0xc3: {  	[sflag:s0] =	ssyncadd.remote.s32 $0x1  }
0xc4: {  	_ =	sfence.sel $0xFFFF  }
0xc5: {  	[dreg:$0x0] =	wrdreg $0xFFFFFFFF;
	(pc) =	sbr.abs _section_cstart, $3  }
0xc6: {  	[dreg:$0x1] =	wrdreg $0xFFFFFFFF  }
0xc7: {  	_ =	task.clear_ibuf [dreg:s7], $0x2FFFF;
	_ =	strace $0x9FFFFFFF  }
0xc8: {  	(tm) =	ssettm $0x7FFFFFFF  }
0xc9: {  	_ =	shalt  }
tec
execute0_lowered:
.L_overlay_start_1:
0x0: {  	(tag) =	ssettag $0x1  }
0x1: {  	s4 =	rddreg [dreg:$0x0]  }
0x2: {  	s6 =	rddreg [dreg:$0x1]  }
0x3: {  	s0 =	rddreg [dreg:$0x2]  }
0x4: {  	s2 =	simm.s32 $0x0;
	s1 =	stileid.u32;
	s5 =	srdreg.scid  }
0x5: {  	s12 =	simm.s32 $0x0;
	[smem:$0x7FF] =	sst s2;
	s3 =	sshll.u32 s1, $0x6  }
0x6: {  	s5 =	sand.u32 $0x1, s5;
	s7 =	sshll.u32 s1, $0x1;
	_ =	strace $0x80000047  }
0x7: {  	s3 =	sand.u32 $0x380, s3;
	s7 =	sor.u32 s5, s7;
	s5 =	ssub.s32 $0x2, s5  }
0x8: {  	s8 =	sadd.s32 s3, s4;
	s3 =	sadd.s32 $0x1600, s4;
	s9 =	sshll.u32 s7, $0xA  }
0x9: {  	s10 =	sshll.u32 s7, $0x5;
	s30 =	sshrl.u32 s5, $0x1;
	s7 =	sshll.u32 s7, $0xB  }
0xa: {  	s9 =	sadd.s32 s9, s4;
	s10 =	sand.u32 $0x60, s10;
	s11 =	ssub.s32 s5, s30  }
0xb: {  	s6 =	sadd.s32 s6, s7;
	s31 =	sadd.s32 s10, s8;
	s5 =	sadd.s32 $0x11A00, s9  }
0xc: {  	s7 =	smax.u32 s11, $0x1;
	s8 =	simm.s32 $0x2;
	s9 =	simm.s32 $0x100  }
0xd: {  	v0 =	vimm.f32 $0.0e+00;
	v1 =	vimm.f32 $1.000000000e+00;
	s10 =	simm.s32 $0x1;
	s11 =	simm.s32 $0x2100;
	s4 =	sadd.s32 $0x11600, s31  }
.LBB2_1:
0xe: {  	[tilespmem:s2], [sflag:$0x2] =	stream.linear.gather [hbm4b:s4+s2], $0x100, $0x38;
	[tilespmem:$0x6100] =	vst v63  }
0xf: {  	_ =	swait.ge [sflag:s8], $0x100  }
0x10: {  	[sflag:s8] =	ssyncset.done $0x0  }
0x11: {  	[sflag:s8] =	ssyncadd.s32 $0xFFFFFF00  }
0x12: {  	[tilespmem:s9], [sflag:$0x1] =	stream.indirect.gather [hbm4b:s3+s9], $0x20, s2, s9, $0xb8;
	[tilespmem:$0x6100] =	vst v63  }
0x13: {  	_ =	swait.ge [sflag:s10], $0x2000  }
0x14: {  	[sflag:s10] =	ssyncset.done $0x0  }
0x15: {  	[sflag:s10] =	ssyncadd.s32 $0xFFFFE000  }
0x16: {  	[hbm4b:s5+s2] =	stream.linear.scatter [tilespmem:s9], [sflag:$0x2], $0x2000, $0x38;
	[tilespmem:$0x6100] =	vst v63  }
0x17: {  	_ =	swait.ge [sflag:s8], $0x2000  }
0x18: {  	[sflag:s8] =	ssyncset.done $0x0  }
0x19: {  	s13 =	simm.s32 $0x0;
	s14 =	simm.s32 $0x400;
	[sflag:s8] =	ssyncadd.s32 $0xFFFFE000  }
.LBB2_2:
0x1a: {  	p0 =	sne.s32 s14, $0xFC00;
	[tilespmem:s13+$0x21F0] =	vst v0  }
0x1b: {  	[tilespmem:s13+$0x2100] =	vst v0  }
0x1c: {  	[tilespmem:s13+$0x2110] =	vst v0  }
0x1d: {  	[tilespmem:s13+$0x2120] =	vst v0  }
0x1e: {  	[tilespmem:s13+$0x2130] =	vst v0  }
0x1f: {  	[tilespmem:s13+$0x2140] =	vst v0  }
0x20: {  	[tilespmem:s13+$0x2150] =	vst v0  }
0x21: {  	[tilespmem:s13+$0x2160] =	vst v0  }
0x22: {  	[tilespmem:s13+$0x2170] =	vst v0  }
0x23: {  	[tilespmem:s13+$0x2180] =	vst v0  }
0x24: {  	[tilespmem:s13+$0x2190] =	vst v0  }
.Ltmp0:
0x25: {  	[tilespmem:s13+$0x21A0] =	vst v0;
	(pc) =	sbr.rel @p0 .LBB2_2-.Ltmp0, $4  }
0x26: {  	[tilespmem:s13+$0x21B0] =	vst v0  }
0x27: {  	[tilespmem:s13+$0x21C0] =	vst v0  }
0x28: {  	[tilespmem:s13+$0x21D0] =	vst v0  }
0x29: {  	[tilespmem:s13+$0x21E0] =	vst v0;
	s13 =	sshra.s32 s14, $0x2;
	s14 =	sadd.s32 $0x400, s14  }
0x2a: {  	[tilespmem:s13+$0x21F0] =	vst v0  }
0x2b: {  	[tilespmem:s13+$0x2100] =	vst v0  }
0x2c: {  	[tilespmem:s13+$0x2110] =	vst v0  }
0x2d: {  	[tilespmem:s13+$0x2120] =	vst v0  }
0x2e: {  	[tilespmem:s13+$0x2130] =	vst v0  }
0x2f: {  	[tilespmem:s13+$0x2140] =	vst v0  }
0x30: {  	[tilespmem:s13+$0x2150] =	vst v0  }
0x31: {  	[tilespmem:s13+$0x2160] =	vst v0  }
0x32: {  	[tilespmem:s13+$0x2170] =	vst v0  }
0x33: {  	[tilespmem:s13+$0x2180] =	vst v0  }
0x34: {  	[tilespmem:s13+$0x2190] =	vst v0  }
0x35: {  	[tilespmem:s13+$0x21A0] =	vst v0  }
0x36: {  	[tilespmem:s13+$0x21B0] =	vst v0  }
0x37: {  	[tilespmem:s13+$0x21C0] =	vst v0  }
0x38: {  	[tilespmem:s13+$0x21D0] =	vst v0  }
0x39: {  	[tilespmem:s13+$0x21E0] =	vst v0  }
0x3a: {  	v2 =	vld [tilespmem:$0x0];
	_ =	sdelay $0x7  }
0x3b: {  	[tilespmem:v2+s11+$0x0] =	vst.idx.add.f32.msk $0xffff, v1  }
0x3c: {  	v2 =	vld [tilespmem:$0x10];
	_ =	sdelay $0x7  }
0x3d: {  	[tilespmem:v2+s11+$0x0] =	vst.idx.add.f32.msk $0xffff, v1  }
0x3e: {  	v2 =	vld [tilespmem:$0x20];
	_ =	sdelay $0x7  }
0x3f: {  	[tilespmem:v2+s11+$0x0] =	vst.idx.add.f32.msk $0xffff, v1  }
0x40: {  	v2 =	vld [tilespmem:$0x30];
	_ =	sdelay $0x7  }
0x41: {  	[tilespmem:v2+s11+$0x0] =	vst.idx.add.f32.msk $0xffff, v1  }
0x42: {  	v2 =	vld [tilespmem:$0x40];
	_ =	sdelay $0x7  }
0x43: {  	[tilespmem:v2+s11+$0x0] =	vst.idx.add.f32.msk $0xffff, v1  }
0x44: {  	v2 =	vld [tilespmem:$0x50];
	_ =	sdelay $0x7  }
0x45: {  	[tilespmem:v2+s11+$0x0] =	vst.idx.add.f32.msk $0xffff, v1  }
0x46: {  	v2 =	vld [tilespmem:$0x60];
	_ =	sdelay $0x7  }
0x47: {  	[tilespmem:v2+s11+$0x0] =	vst.idx.add.f32.msk $0xffff, v1  }
0x48: {  	v2 =	vld [tilespmem:$0x70];
	_ =	sdelay $0x7  }
0x49: {  	[tilespmem:v2+s11+$0x0] =	vst.idx.add.f32.msk $0xffff, v1  }
0x4a: {  	v2 =	vld [tilespmem:$0x80];
	_ =	sdelay $0x7  }
0x4b: {  	[tilespmem:v2+s11+$0x0] =	vst.idx.add.f32.msk $0xffff, v1  }
0x4c: {  	v2 =	vld [tilespmem:$0x90];
	_ =	sdelay $0x7  }
0x4d: {  	[tilespmem:v2+s11+$0x0] =	vst.idx.add.f32.msk $0xffff, v1  }
0x4e: {  	v2 =	vld [tilespmem:$0xA0];
	_ =	sdelay $0x7  }
0x4f: {  	[tilespmem:v2+s11+$0x0] =	vst.idx.add.f32.msk $0xffff, v1  }
0x50: {  	v2 =	vld [tilespmem:$0xB0];
	_ =	sdelay $0x7  }
0x51: {  	[tilespmem:v2+s11+$0x0] =	vst.idx.add.f32.msk $0xffff, v1  }
0x52: {  	v2 =	vld [tilespmem:$0xC0];
	_ =	sdelay $0x7  }
0x53: {  	[tilespmem:v2+s11+$0x0] =	vst.idx.add.f32.msk $0xffff, v1  }
0x54: {  	v2 =	vld [tilespmem:$0xD0];
	_ =	sdelay $0x7  }
0x55: {  	[tilespmem:v2+s11+$0x0] =	vst.idx.add.f32.msk $0xffff, v1  }
0x56: {  	v2 =	vld [tilespmem:$0xE0];
	_ =	sdelay $0x7  }
0x57: {  	[tilespmem:v2+s11+$0x0] =	vst.idx.add.f32.msk $0xffff, v1  }
0x58: {  	v2 =	vld [tilespmem:$0xF0];
	_ =	sdelay $0x5  }
0x59: {  	s12 =	sadd.s32 $0x1, s12  }
0x5a: {  	p0 =	sne.s32 s12, s7  }
.Ltmp1:
0x5b: {  	[tilespmem:v2+s11+$0x0] =	vst.idx.add.f32.msk $0xffff, v1;
	(pc) =	sbr.rel @p0 .LBB2_1-.Ltmp1, $4  }
0x5c: {  	[hbm4b:s6+s2] =	stream.linear.scatter [tilespmem:s11], [sflag:$0x2], $0x4000, $0x38;
	[tilespmem:$0x6100] =	vst v63  }
0x5d: {  	_ =	swait.ge [sflag:s8], $0x4000  }
0x5e: {  	[sflag:s8] =	ssyncset.done $0x0  }
0x5f: {  	[sflag:s8] =	ssyncadd.s32 $0xFFFFC000  }
0x60: {  	_ =	sfence.sel $0x180000  }
0x61: {  	[bflag:$0x0] =	sbarrier.arrive $0xFFFF  }
0x62: {  	p0 =	sne.s32 s1, $0x0;
	_ =	strace $0x90000047  }
0x63: {  	s0 =	sadd.s32 @!p0 $0x100000, s0;
	[bflag:$0x2] =	sbarrier.arrive $0xFFFF  }
0x64: {  	[sflag:s0] =	ssyncadd.tile.s32 @!p0 $0x1;
	_ =	shalt  }
.Lfunc_end2:
_tile_overlayer_lowered:
.L_overlay_start_2:
0x65: {  	(tag) =	ssettag $0x2  }
0x66: {  	s0 =	rddreg [dreg:$0x0];
	s2 =	stileid.u32  }
0x67: {  	s1 =	rddreg [dreg:$0x1];
	p0 =	sne.s32 s2, $0x0  }
0x68: {  	s3 =	rddreg [dreg:$0x2];
	[bflag:$0x3] =	sbarrier.arrive $0xFFFF;
	s2 =	simm.s32 @!p0 $0x1C02  }
0x69: {  	[timem:s3], [sflag:s2] =	dma.local @!p0 [hbm:s0], s1  }
0x6a: {  	s0 =	simm.s32 @!p0 $0x2  }
0x6b: {  	_ =	swait.ge @!p0 [sflag:s0], s1  }
0x6c: {  	s1 =	ssub.s32 @!p0 $0x0, s1;
	[sflag:s0] =	ssyncset.done @!p0 $0x0  }
0x6d: {  	[sflag:s0] =	ssyncadd.s32 @!p0 s1  }
0x6e: {  	[bflag:$0x3] =	sbarrier.arrive $0xFFFF  }
0x6f: {  	_ =	shalt  }

</sc_bundles>
